<compile_context>
chip_gen: v7x
topology: tpu7x:2x2x1
jax: 0.10.2.dev20260603
libtpu: 0.0.44.dev20260713+nightly
codegen_flags: <defaults>
</compile_context>

<pallas_src>
import functools

import jax
import jax.numpy as jnp
from jax import lax
from jax.experimental import pallas as pl
from jax.experimental.pallas import tpu as pltpu
from jax.experimental.pallas import tpu_sc as plsc

N = 512
E1 = 512
E2 = 4096
PE = 16
EMB = 64

NC, NS, L = 2, 16, 16
NW = NC * NS
N1 = E1 // NW
N2 = E2 // NW
CT1 = E1 // 128
CT2 = E2 // 128

KOFF = [((k >> 3) << 21) + ((k & 7) << 7) for k in range(PE)]

_MESH = plsc.VectorSubcoreMesh(
    core_axis_name="c", subcore_axis_name="s", num_cores=NC, num_subcores=NS)


@functools.partial(
    pl.kernel,
    mesh=_MESH,
    compiler_params=pltpu.CompilerParams(use_tc_tiling_on_sc=False),
    out_type=(
        jax.ShapeDtypeStruct((2, CT1, 8, 128), jnp.float32),
        jax.ShapeDtypeStruct((2, CT2, 1024), jnp.float32),
    ),
    scratch_types=[
        pltpu.VMEM((N1,), jnp.int32),
        pltpu.VMEM((N1,), jnp.int32),
        pltpu.VMEM((2 * N1 * PE,), jnp.int32),
        pltpu.VMEM((2 * N1 * PE,), jnp.float32),
        pltpu.VMEM((PE, N1), jnp.float32),
        pltpu.VMEM((N2,), jnp.int32),
        pltpu.VMEM((N2,), jnp.int32),
        pltpu.VMEM((4 * N2,), jnp.int32),
        pltpu.VMEM((4 * N2,), jnp.int32),
        pltpu.VMEM((4 * N2,), jnp.int32),
        pltpu.VMEM((4 * N2,), jnp.int32),
        pltpu.VMEM((4 * N2,), jnp.float32),
        pltpu.VMEM((4 * N2,), jnp.float32),
        pltpu.VMEM((4 * N2,), jnp.float32),
        pltpu.VMEM((4 * N2,), jnp.float32),
        pltpu.SemaphoreType.DMA,
        pltpu.SemaphoreType.DMA,
        pltpu.SemaphoreType.DMA,
        pltpu.SemaphoreType.DMA,
        pltpu.SemaphoreType.DMA,
        pltpu.SemaphoreType.DMA,
    ],
)
def _sc_gather(ei1_hbm, tab1_hbm, ei2_hbm, tab2_hbm,
               x1_hbm, x2_hbm,
               r1_v, c1_v, i1_v, g1_v, avg_v,
               r2_v, c2_v, i2q0, i2q1, i2q2, i2q3,
               g2q0, g2q1, g2q2, g2q3,
               semi, sem1, s2q0, s2q1, s2q2, s2q3):
    i2_v = [i2q0, i2q1, i2q2, i2q3]
    g2_v = [g2q0, g2q1, g2q2, g2q3]
    sem2 = [s2q0, s2q1, s2q2, s2q3]
    wid = lax.axis_index("s") * NC + lax.axis_index("c")
    ct1 = wid // 8
    cl1 = (wid % 8) * N1

    ld = [
        pltpu.async_copy(ei1_hbm.at[pl.ds(ct1 * 256 + cl1, N1)], r1_v, semi),
        pltpu.async_copy(ei1_hbm.at[pl.ds(ct1 * 256 + 128 + cl1, N1)], c1_v, semi),
        pltpu.async_copy(ei2_hbm.at[pl.ds(wid * 256, N2)], r2_v, semi),
        pltpu.async_copy(ei2_hbm.at[pl.ds(wid * 256 + 128, N2)], c2_v, semi),
    ]
    ld[0].wait()
    ld[1].wait()

    r = r1_v[...]
    c = c1_v[...]
    f_rc = r * N + c
    f_cr = c * N + r
    brc = ((f_rc >> 7) << 10) + (f_rc & 127)
    bcr = ((f_cr >> 7) << 10) + (f_cr & 127)

    def i1_body(k, carry):
        koff_k = ((k >> 3) << 21) + ((k & 7) << 7)
        i1_v[pl.ds(k * N1, N1)] = brc + koff_k
        i1_v[pl.ds((PE + k) * N1, N1)] = bcr + koff_k
        return carry

    lax.fori_loop(0, PE, i1_body, 0, unroll=False)
    cp1 = pltpu.async_copy(tab1_hbm.at[i1_v], g1_v, sem1)

    ld[2].wait()
    ld[3].wait()

    def i2_body(g, carry):
        sl = pl.ds(g * L, L)
        f = r2_v[sl] * N + c2_v[sl]
        base = ((f >> 7) << 10) + (f & 127)
        for q in range(4):
            for k4 in range(4):
                i2_v[q][pl.ds((k4 * (N2 // L) + g) * L, L)] = (
                    base + KOFF[q * 4 + k4])
        return carry

    lax.fori_loop(0, N2 // L, i2_body, 0, unroll=False)
    cp2 = [pltpu.async_copy(tab2_hbm.at[i2_v[q]], g2_v[q], sem2[q])
           for q in range(4)]

    cp1.wait()

    def avg_body(k, carry):
        row = (g1_v[pl.ds(k * N1, N1)] + g1_v[pl.ds((PE + k) * N1, N1)]) * 0.5
        avg_v[k, :] = row
        return carry

    lax.fori_loop(0, PE, avg_body, 0, unroll=False)
    wb = [
        pltpu.async_copy(avg_v.at[pl.ds(0, 8), :],
                         x1_hbm.at[0, ct1, :, pl.ds(cl1, N1)], semi),
        pltpu.async_copy(avg_v.at[pl.ds(8, 8), :],
                         x1_hbm.at[1, ct1, :, pl.ds(cl1, N1)], semi),
    ]
    for q in range(4):
        cp2[q].wait()
        h, off = q // 2, (q % 2) * 512
        wb.append(pltpu.async_copy(
            g2_v[q], x2_hbm.at[h, wid, pl.ds(off, 512)], semi))
    for w in wb:
        w.wait()


def _tc_body(x1_ref, w1_ref, b1_ref, x2_ref, w2_ref, b2_ref, o1_ref, o2_ref):
    dn = (((0,), (0,)), ((), ()))
    o1_ref[...] = (
        lax.dot_general(w1_ref[...], x1_ref[...], dn,
                        preferred_element_type=jnp.float32)
        + b1_ref[...]
    )
    o2_ref[...] = (
        lax.dot_general(w2_ref[...], x2_ref[...], dn,
                        preferred_element_type=jnp.float32)
        + b2_ref[...]
    )


_tc_encode = pl.pallas_call(
    _tc_body,
    out_shape=(
        jax.ShapeDtypeStruct((EMB, E1), jnp.float32),
        jax.ShapeDtypeStruct((EMB, E2), jnp.float32),
    ),
)


def _phys_view(tab):
    return (tab.T.reshape(PE // 8, 8, (N * N) // 128, 128)
            .transpose(0, 2, 1, 3).reshape(-1))


def _idx_view(ei):
    e = ei.shape[1]
    return ei.reshape(2, e // 128, 128).transpose(1, 0, 2).reshape(-1)


def _xt_view(stage, e):
    return (stage.reshape(2, e // 128, 8, 128)
            .transpose(0, 2, 1, 3).reshape(PE, e))


def kernel(edge_RWSE, batch, edge_index, e2e_edge_RWSE, e_batch, e2e_edge_index,
           W_enc, b_enc, W_e2e, b_e2e):
    del batch, e_batch
    s1, s2 = _sc_gather(
        _idx_view(edge_index), _phys_view(edge_RWSE),
        _idx_view(e2e_edge_index), _phys_view(e2e_edge_RWSE),
    )
    o1t, o2t = _tc_encode(
        _xt_view(s1, E1), W_enc, b_enc.reshape(EMB, 1),
        _xt_view(s2, E2), W_e2e, b_e2e.reshape(EMB, 1),
    )
    return o1t.T, o2t.T

# --- scband reference (transcript-rebuilt; emitter-appended) ---
"""Pipeline reference for scband-rwseedge-encoder-17377437679647 (READ-ONLY COPY).

The authoritative reference and input builder live on the scoring server;
editing this copy changes nothing except your own understanding.
"""

import jax, jax.numpy as jnp
import numpy as np

N_NODES = 512
N_EDGES = 512
N_E2E = 4096
PE_DIM = 16
EMB_DIM = 64


def _dense_indices(edge_index, batch):
    B = 1
    num_nodes = jnp.zeros((B,), jnp.int32).at[batch].add(1)
    cum = jnp.concatenate([jnp.zeros((1,), jnp.int32), jnp.cumsum(num_nodes).astype(jnp.int32)])
    idx0 = batch[edge_index[0]]
    base = cum[batch]
    idx1 = edge_index[0] - base[edge_index[0]]
    idx2 = edge_index[1] - base[edge_index[1]]
    return idx0, idx1, idx2


def _reshape_flattened_adj(ef, batch):
    B = 1
    n = batch.shape[0]
    padded = jnp.zeros((B, n, n, ef.shape[-1]), ef.dtype)
    padded = padded.at[0, :n, :n].set(ef.reshape(n, n, -1))
    return padded


def setup_inputs(seed: int = 0) -> dict:
    key = jax.random.key(seed)
    ks = jax.random.split(key, 6)
    edge_RWSE = jax.random.normal(ks[0], (N_NODES * N_NODES, PE_DIM), jnp.float32)
    batch = jnp.zeros((N_NODES,), jnp.int32)
    edge_index = jax.random.randint(ks[1], (2, N_EDGES), 0, N_NODES, dtype=jnp.int32)
    e2e_edge_RWSE = jax.random.normal(ks[2], (N_EDGES * N_EDGES, PE_DIM), jnp.float32)
    e_batch = jnp.zeros((N_EDGES,), jnp.int32)
    e2e_edge_index = jax.random.randint(ks[3], (2, N_E2E), 0, N_EDGES, dtype=jnp.int32)
    W_enc = jax.random.normal(ks[4], (PE_DIM, EMB_DIM), jnp.float32) / jnp.sqrt(PE_DIM)
    b_enc = jnp.zeros((EMB_DIM,), jnp.float32)
    W_e2e = jax.random.normal(ks[5], (PE_DIM, EMB_DIM), jnp.float32) / jnp.sqrt(PE_DIM)
    b_e2e = jnp.zeros((EMB_DIM,), jnp.float32)
    return {"edge_RWSE": edge_RWSE, "batch": batch, "edge_index": edge_index,
            "e2e_edge_RWSE": e2e_edge_RWSE, "e_batch": e_batch, "e2e_edge_index": e2e_edge_index,
            "W_enc": W_enc, "b_enc": b_enc, "W_e2e": W_e2e, "b_e2e": b_e2e}


def reference(edge_RWSE, batch, edge_index, e2e_edge_RWSE, e_batch, e2e_edge_index,
              W_enc, b_enc, W_e2e, b_e2e):
    # node-pair RWSE branch (reshape=True path)
    dense = _reshape_flattened_adj(edge_RWSE, batch)          # [B, N, N, pe]
    enc = dense @ W_enc + b_enc                               # [B, N, N, emb]
    b0, r, c = _dense_indices(edge_index, batch)
    edge_attr = (enc[b0, r, c] + enc[b0, c, r]) / 2.0         # [E, emb]
    # edge-to-edge RWSE branch
    dense2 = _reshape_flattened_adj(e2e_edge_RWSE, e_batch)   # [B, E, E, pe]
    enc2 = dense2 @ W_e2e + b_e2e                             # [B, E, E, emb]
    b1, r1, c1 = _dense_indices(e2e_edge_index, e_batch)
    e2e_edge_attr = enc2[b1, r1, c1]                          # [E2, emb]
    return edge_attr, e2e_edge_attr

if __name__ == "__main__":
    import jax
    _d = setup_inputs()
    print(jax.jit(kernel)(*tuple(_d.values())))

</pallas_src>

<mosaic_0001>
#map = affine_map<(d0, d1) -> (0)>
#map1 = affine_map<(d0, d1) -> (0, 0, 0, 0)>
#map2 = affine_map<(d0, d1) -> (0, 0, 0)>
module attributes {stable_mosaic.version = 14 : i64} {
  func.func @_sc_gather(%arg0: i32, %arg1: i32, %arg2: memref<1024xi32, #tpu.memory_space<hbm>>, %arg3: memref<4194304xf32, #tpu.memory_space<hbm>>, %arg4: memref<8192xi32, #tpu.memory_space<hbm>>, %arg5: memref<4194304xf32, #tpu.memory_space<hbm>>, %arg6: memref<2x4x8x128xf32, #tpu.memory_space<hbm>>, %arg7: memref<2x32x1024xf32, #tpu.memory_space<hbm>>, %arg8: memref<16xi32, #tpu.memory_space<vmem>>, %arg9: memref<16xi32, #tpu.memory_space<vmem>>, %arg10: memref<512xi32, #tpu.memory_space<vmem>>, %arg11: memref<512xf32, #tpu.memory_space<vmem>>, %arg12: memref<16x16xf32, #tpu.memory_space<vmem>>, %arg13: memref<128xi32, #tpu.memory_space<vmem>>, %arg14: memref<128xi32, #tpu.memory_space<vmem>>, %arg15: memref<512xi32, #tpu.memory_space<vmem>>, %arg16: memref<512xi32, #tpu.memory_space<vmem>>, %arg17: memref<512xi32, #tpu.memory_space<vmem>>, %arg18: memref<512xi32, #tpu.memory_space<vmem>>, %arg19: memref<512xf32, #tpu.memory_space<vmem>>, %arg20: memref<512xf32, #tpu.memory_space<vmem>>, %arg21: memref<512xf32, #tpu.memory_space<vmem>>, %arg22: memref<512xf32, #tpu.memory_space<vmem>>, %arg23: memref<!tpu.dma_semaphore, #tpu.memory_space<semaphore_mem>>, %arg24: memref<!tpu.dma_semaphore, #tpu.memory_space<semaphore_mem>>, %arg25: memref<!tpu.dma_semaphore, #tpu.memory_space<semaphore_mem>>, %arg26: memref<!tpu.dma_semaphore, #tpu.memory_space<semaphore_mem>>, %arg27: memref<!tpu.dma_semaphore, #tpu.memory_space<semaphore_mem>>, %arg28: memref<!tpu.dma_semaphore, #tpu.memory_space<semaphore_mem>>) attributes {dimension_semantics = [#tpu.dimension_semantics<core_parallel>, #tpu.dimension_semantics<subcore_parallel>], iteration_bounds = array<i64: 2, 16>, scalar_prefetch = 0 : i64, scratch_operands = 21 : i64, tpu.core_type = #tpu.core_type<sc_vector_subcore>, window_params = [{transform_indices = #map}, {transform_indices = #map}, {transform_indices = #map}, {transform_indices = #map}, {transform_indices = #map1}, {transform_indices = #map2}]} {
    %mul3A = arith.constant 2 : i32
    %mul3A_0 = arith.muli %arg1, %mul3A : i32
    %add3A = arith.addi %mul3A_0, %arg0 : i32
    %jit3A = arith.constant 8 : i32
    %div3A = arith.divsi %add3A, %jit3A : i32
    %sign3A = arith.constant 0 : i32
    %sign3A_1 = arith.cmpi sgt, %add3A, %sign3A : i32
    %sign3A_2 = arith.extui %sign3A_1 : i1 to i32
    %sign3A_3 = arith.constant 0 : i32
    %sign3A_4 = arith.cmpi slt, %add3A, %sign3A_3 : i32
    %sign3A_5 = arith.extui %sign3A_4 : i1 to i32
    %sign3A_6 = arith.subi %sign3A_2, %sign3A_5 : i32
    %sign3A_7 = arith.constant 0 : i32
    %sign3A_8 = arith.cmpi sgt, %jit3A, %sign3A_7 : i32
    %sign3A_9 = arith.extui %sign3A_8 : i1 to i32
    %sign3A_10 = arith.constant 0 : i32
    %sign3A_11 = arith.cmpi slt, %jit3A, %sign3A_10 : i32
    %sign3A_12 = arith.extui %sign3A_11 : i1 to i32
    %sign3A_13 = arith.subi %sign3A_9, %sign3A_12 : i32
    %ne3A = arith.cmpi ne, %sign3A_6, %sign3A_13 : i32
    %rem3A = arith.remsi %add3A, %jit3A : i32
    %ne3A_14 = arith.constant 0 : i32
    %ne3A_15 = arith.cmpi ne, %rem3A, %ne3A_14 : i32
    %and3A = arith.andi %ne3A, %ne3A_15 : i1
    %sub3A = arith.constant 1 : i32
    %sub3A_16 = arith.subi %div3A, %sub3A : i32
    %select_n3A = arith.select %and3A, %sub3A_16, %div3A : i32
    %jit3A_17 = arith.constant 8 : i32
    %eq3A = arith.constant 0 : i32
    %eq3A_18 = arith.cmpi eq, %jit3A_17, %eq3A : i32
    %jit3A_19 = arith.constant 1 : i32
    %select_n3A_20 = arith.select %eq3A_18, %jit3A_19, %jit3A_17 : i32
    %rem3A_21 = arith.remsi %add3A, %select_n3A_20 : i32
    %ne3A_22 = arith.constant 0 : i32
    %ne3A_23 = arith.cmpi ne, %rem3A_21, %ne3A_22 : i32
    %lt3A = arith.constant 0 : i32
    %lt3A_24 = arith.cmpi slt, %rem3A_21, %lt3A : i32
    %lt3A_25 = arith.constant 0 : i32
    %lt3A_26 = arith.cmpi slt, %select_n3A_20, %lt3A_25 : i32
    %ne3A_27 = arith.xori %lt3A_24, %lt3A_26 : i1
    %and3A_28 = arith.andi %ne3A_27, %ne3A_23 : i1
    %add3A_29 = arith.addi %rem3A_21, %select_n3A_20 : i32
    %select_n3A_30 = arith.select %and3A_28, %add3A_29, %rem3A_21 : i32
    %mul3A_31 = arith.constant 16 : i32
    %mul3A_32 = arith.muli %select_n3A_30, %mul3A_31 : i32
    %mul3A_33 = arith.constant 256 : i32
    %mul3A_34 = arith.muli %select_n3A, %mul3A_33 : i32
    %add3A_35 = arith.addi %mul3A_34, %mul3A_32 : i32
    %dma_start3A = tpu.memref_slice %arg2[%add3A_35] : memref<1024xi32, #tpu.memory_space<hbm>> -> memref<16xi32, #tpu.memory_space<hbm>>
    %dma_start3A_36 = tpu.memref_slice %arg2[%add3A_35] : memref<1024xi32, #tpu.memory_space<hbm>> -> memref<16xi32, #tpu.memory_space<hbm>>
    tpu.enqueue_dma source(%dma_start3A_36 : memref<16xi32, #tpu.memory_space<hbm>>) target(%arg8 : memref<16xi32, #tpu.memory_space<vmem>>) target_semaphore(%arg23 : memref<!tpu.dma_semaphore, #tpu.memory_space<semaphore_mem>>)
    %mul3A_37 = arith.constant 256 : i32
    %mul3A_38 = arith.muli %select_n3A, %mul3A_37 : i32
    %add3A_39 = arith.constant 128 : i32
    %add3A_40 = arith.addi %mul3A_38, %add3A_39 : i32
    %add3A_41 = arith.addi %add3A_40, %mul3A_32 : i32
    %dma_start3A_42 = tpu.memref_slice %arg2[%add3A_41] : memref<1024xi32, #tpu.memory_space<hbm>> -> memref<16xi32, #tpu.memory_space<hbm>>
    %dma_start3A_43 = tpu.memref_slice %arg2[%add3A_41] : memref<1024xi32, #tpu.memory_space<hbm>> -> memref<16xi32, #tpu.memory_space<hbm>>
    tpu.enqueue_dma source(%dma_start3A_43 : memref<16xi32, #tpu.memory_space<hbm>>) target(%arg9 : memref<16xi32, #tpu.memory_space<vmem>>) target_semaphore(%arg23 : memref<!tpu.dma_semaphore, #tpu.memory_space<semaphore_mem>>)
    %mul3A_44 = arith.constant 256 : i32
    %mul3A_45 = arith.muli %add3A, %mul3A_44 : i32
    %dma_start3A_46 = tpu.memref_slice %arg4[%mul3A_45] : memref<8192xi32, #tpu.memory_space<hbm>> -> memref<128xi32, #tpu.memory_space<hbm>>
    %dma_start3A_47 = tpu.memref_slice %arg4[%mul3A_45] : memref<8192xi32, #tpu.memory_space<hbm>> -> memref<128xi32, #tpu.memory_space<hbm>>
    tpu.enqueue_dma source(%dma_start3A_47 : memref<128xi32, #tpu.memory_space<hbm>>) target(%arg13 : memref<128xi32, #tpu.memory_space<vmem>>) target_semaphore(%arg23 : memref<!tpu.dma_semaphore, #tpu.memory_space<semaphore_mem>>)
    %mul3A_48 = arith.constant 256 : i32
    %mul3A_49 = arith.muli %add3A, %mul3A_48 : i32
    %add3A_50 = arith.constant 128 : i32
    %add3A_51 = arith.addi %mul3A_49, %add3A_50 : i32
    %dma_start3A_52 = tpu.memref_slice %arg4[%add3A_51] : memref<8192xi32, #tpu.memory_space<hbm>> -> memref<128xi32, #tpu.memory_space<hbm>>
    %dma_start3A_53 = tpu.memref_slice %arg4[%add3A_51] : memref<8192xi32, #tpu.memory_space<hbm>> -> memref<128xi32, #tpu.memory_space<hbm>>
    tpu.enqueue_dma source(%dma_start3A_53 : memref<128xi32, #tpu.memory_space<hbm>>) target(%arg14 : memref<128xi32, #tpu.memory_space<vmem>>) target_semaphore(%arg23 : memref<!tpu.dma_semaphore, #tpu.memory_space<semaphore_mem>>)
    %dma_wait3A = tpu.memref_slice %arg2[%add3A_35] : memref<1024xi32, #tpu.memory_space<hbm>> -> memref<16xi32, #tpu.memory_space<hbm>>
    %dma_wait3A_54 = tpu.memref_slice %arg2[%add3A_35] : memref<1024xi32, #tpu.memory_space<hbm>> -> memref<16xi32, #tpu.memory_space<hbm>>
    tpu.wait_dma2 semaphore(%arg23 : memref<!tpu.dma_semaphore, #tpu.memory_space<semaphore_mem>>) src(%dma_wait3A_54 : memref<16xi32, #tpu.memory_space<hbm>>) dst(%arg8 : memref<16xi32, #tpu.memory_space<vmem>>)
    %dma_wait3A_55 = tpu.memref_slice %arg2[%add3A_41] : memref<1024xi32, #tpu.memory_space<hbm>> -> memref<16xi32, #tpu.memory_space<hbm>>
    %dma_wait3A_56 = tpu.memref_slice %arg2[%add3A_41] : memref<1024xi32, #tpu.memory_space<hbm>> -> memref<16xi32, #tpu.memory_space<hbm>>
    tpu.wait_dma2 semaphore(%arg23 : memref<!tpu.dma_semaphore, #tpu.memory_space<semaphore_mem>>) src(%dma_wait3A_56 : memref<16xi32, #tpu.memory_space<hbm>>) dst(%arg9 : memref<16xi32, #tpu.memory_space<vmem>>)
    %get3A = arith.constant 0 : index
    %get3A_57 = tpu.vector_load %arg8[%get3A] {strides = array<i32>} : memref<16xi32, #tpu.memory_space<vmem>>, vector<16xi32>,
    %get3A_58 = vector.shape_cast %get3A_57 : vector<16xi32> to vector<16xi32>
    %get3A_59 = arith.constant 0 : index
    %get3A_60 = tpu.vector_load %arg9[%get3A_59] {strides = array<i32>} : memref<16xi32, #tpu.memory_space<vmem>>, vector<16xi32>,
    %get3A_61 = vector.shape_cast %get3A_60 : vector<16xi32> to vector<16xi32>
    %mul3A_62 = arith.constant 512 : i32
    %mul3A_63 = vector.broadcast %mul3A_62 : i32 to vector<16xi32>
    %mul3A_64 = arith.muli %get3A_58, %mul3A_63 : vector<16xi32>
    %add3A_65 = arith.addi %mul3A_64, %get3A_61 : vector<16xi32>
    %mul3A_66 = arith.constant 512 : i32
    %mul3A_67 = vector.broadcast %mul3A_66 : i32 to vector<16xi32>
    %mul3A_68 = arith.muli %get3A_61, %mul3A_67 : vector<16xi32>
    %add3A_69 = arith.addi %mul3A_68, %get3A_58 : vector<16xi32>
    %shift_right_arithmetic3A = arith.constant 7 : i32
    %shift_right_arithmetic3A_70 = vector.broadcast %shift_right_arithmetic3A : i32 to vector<16xi32>
    %shift_right_arithmetic3A_71 = arith.shrsi %add3A_65, %shift_right_arithmetic3A_70 : vector<16xi32>
    %shift_left3A = arith.constant 10 : i32
    %shift_left3A_72 = vector.broadcast %shift_left3A : i32 to vector<16xi32>
    %shift_left3A_73 = arith.shli %shift_right_arithmetic3A_71, %shift_left3A_72 : vector<16xi32>
    %and3A_74 = arith.constant 127 : i32
    %and3A_75 = vector.broadcast %and3A_74 : i32 to vector<16xi32>
    %and3A_76 = arith.andi %add3A_65, %and3A_75 : vector<16xi32>
    %add3A_77 = arith.addi %shift_left3A_73, %and3A_76 : vector<16xi32>
    %shift_right_arithmetic3A_78 = arith.constant 7 : i32
    %shift_right_arithmetic3A_79 = vector.broadcast %shift_right_arithmetic3A_78 : i32 to vector<16xi32>
    %shift_right_arithmetic3A_80 = arith.shrsi %add3A_69, %shift_right_arithmetic3A_79 : vector<16xi32>
    %shift_left3A_81 = arith.constant 10 : i32
    %shift_left3A_82 = vector.broadcast %shift_left3A_81 : i32 to vector<16xi32>
    %shift_left3A_83 = arith.shli %shift_right_arithmetic3A_80, %shift_left3A_82 : vector<16xi32>
    %and3A_84 = arith.constant 127 : i32
    %and3A_85 = vector.broadcast %and3A_84 : i32 to vector<16xi32>
    %and3A_86 = arith.andi %add3A_69, %and3A_85 : vector<16xi32>
    %add3A_87 = arith.addi %shift_left3A_83, %and3A_86 : vector<16xi32>
    %scan3A = arith.constant 0 : i32
    %scan3A_88 = arith.constant 0 : i32
    %scan3A_89 = arith.constant 16 : i32
    %scan3A_90 = arith.addi %scan3A_88, %scan3A_89 : i32
    %scan3A_91 = arith.constant 1 : i32
    scf.for %scan3A_237 = %scan3A_88 to %scan3A_90 step %scan3A_91  : i32 {
      %shift_right_arithmetic3A_238 = arith.constant 3 : i32
      %shift_right_arithmetic3A_239 = arith.shrsi %scan3A_237, %shift_right_arithmetic3A_238 : i32
      %shift_left3A_240 = arith.constant 21 : i32
      %shift_left3A_241 = arith.shli %shift_right_arithmetic3A_239, %shift_left3A_240 : i32
      %and3A_242 = arith.constant 7 : i32
      %and3A_243 = arith.andi %scan3A_237, %and3A_242 : i32
      %shift_left3A_244 = arith.constant 7 : i32
      %shift_left3A_245 = arith.shli %and3A_243, %shift_left3A_244 : i32
      %add3A_246 = arith.addi %shift_left3A_241, %shift_left3A_245 : i32
      %add3A_247 = vector.broadcast %add3A_246 : i32 to vector<16xi32>
      %add3A_248 = arith.addi %add3A_77, %add3A_247 : vector<16xi32>
      %mul3A_249 = arith.constant 16 : i32
      %mul3A_250 = arith.muli %scan3A_237, %mul3A_249 : i32
      %swap3A = arith.index_cast %mul3A_250 : i32 to index
      %swap3A_251 = tpu.vector_load %arg10[%swap3A] {strides = array<i32>} : memref<512xi32, #tpu.memory_space<vmem>>, vector<16xi32>,
      %swap3A_252 = vector.shape_cast %swap3A_251 : vector<16xi32> to vector<16xi32>
      %swap3A_253 = vector.shape_cast %add3A_248 : vector<16xi32> to vector<16xi32>
      tpu.vector_store %arg10[%swap3A], %swap3A_253 {strides = array<i32>} : memref<512xi32, #tpu.memory_space<vmem>>, vector<16xi32>,
      %add3A_254 = vector.broadcast %add3A_246 : i32 to vector<16xi32>
      %add3A_255 = arith.addi %add3A_87, %add3A_254 : vector<16xi32>
      %add3A_256 = arith.constant 16 : i32
      %add3A_257 = arith.addi %add3A_256, %scan3A_237 : i32
      %mul3A_258 = arith.constant 16 : i32
      %mul3A_259 = arith.muli %add3A_257, %mul3A_258 : i32
      %swap3A_260 = arith.index_cast %mul3A_259 : i32 to index
      %swap3A_261 = tpu.vector_load %arg10[%swap3A_260] {strides = array<i32>} : memref<512xi32, #tpu.memory_space<vmem>>, vector<16xi32>,
      %swap3A_262 = vector.shape_cast %swap3A_261 : vector<16xi32> to vector<16xi32>
      %swap3A_263 = vector.shape_cast %add3A_255 : vector<16xi32> to vector<16xi32>
      tpu.vector_store %arg10[%swap3A_260], %swap3A_263 {strides = array<i32>} : memref<512xi32, #tpu.memory_space<vmem>>, vector<16xi32>,
    }
    %scan3A_92 = arith.constant 16 : i32
    %dma_start3A_93 = arith.constant 0 : i32
    %dma_start3A_94 = tpu.memref_slice %arg3[%dma_start3A_93] : memref<4194304xf32, #tpu.memory_space<hbm>> -> memref<4194304xf32, #tpu.memory_space<hbm>>
    tpu.enqueue_indirect_dma source(%dma_start3A_94 : memref<4194304xf32, #tpu.memory_space<hbm>>) target(%arg11 : memref<512xf32, #tpu.memory_space<vmem>>) offsets(%arg10 : memref<512xi32, #tpu.memory_space<vmem>>) semaphore(%arg24 : memref<!tpu.dma_semaphore, #tpu.memory_space<semaphore_mem>>)
    %dma_wait3A_95 = tpu.memref_slice %arg4[%mul3A_45] : memref<8192xi32, #tpu.memory_space<hbm>> -> memref<128xi32, #tpu.memory_space<hbm>>
    %dma_wait3A_96 = tpu.memref_slice %arg4[%mul3A_45] : memref<8192xi32, #tpu.memory_space<hbm>> -> memref<128xi32, #tpu.memory_space<hbm>>
    tpu.wait_dma2 semaphore(%arg23 : memref<!tpu.dma_semaphore, #tpu.memory_space<semaphore_mem>>) src(%dma_wait3A_96 : memref<128xi32, #tpu.memory_space<hbm>>) dst(%arg13 : memref<128xi32, #tpu.memory_space<vmem>>)
    %dma_wait3A_97 = tpu.memref_slice %arg4[%add3A_51] : memref<8192xi32, #tpu.memory_space<hbm>> -> memref<128xi32, #tpu.memory_space<hbm>>
    %dma_wait3A_98 = tpu.memref_slice %arg4[%add3A_51] : memref<8192xi32, #tpu.memory_space<hbm>> -> memref<128xi32, #tpu.memory_space<hbm>>
    tpu.wait_dma2 semaphore(%arg23 : memref<!tpu.dma_semaphore, #tpu.memory_space<semaphore_mem>>) src(%dma_wait3A_98 : memref<128xi32, #tpu.memory_space<hbm>>) dst(%arg14 : memref<128xi32, #tpu.memory_space<vmem>>)
    %scan3A_99 = arith.constant 0 : i32
    %scan3A_100 = arith.constant 0 : i32
    %scan3A_101 = arith.constant 8 : i32
    %scan3A_102 = arith.addi %scan3A_100, %scan3A_101 : i32
    %scan3A_103 = arith.constant 1 : i32
    scf.for %scan3A_237 = %scan3A_100 to %scan3A_102 step %scan3A_103  : i32 {
      %mul3A_238 = arith.constant 16 : i32
      %mul3A_239 = arith.muli %scan3A_237, %mul3A_238 : i32
      %get3A_240 = arith.index_cast %mul3A_239 : i32 to index
      %get3A_241 = tpu.vector_load %arg13[%get3A_240] {strides = array<i32>} : memref<128xi32, #tpu.memory_space<vmem>>, vector<16xi32>,
      %get3A_242 = vector.shape_cast %get3A_241 : vector<16xi32> to vector<16xi32>
      %mul3A_243 = arith.constant 512 : i32
      %mul3A_244 = vector.broadcast %mul3A_243 : i32 to vector<16xi32>
      %mul3A_245 = arith.muli %get3A_242, %mul3A_244 : vector<16xi32>
      %get3A_246 = arith.index_cast %mul3A_239 : i32 to index
      %get3A_247 = tpu.vector_load %arg14[%get3A_246] {strides = array<i32>} : memref<128xi32, #tpu.memory_space<vmem>>, vector<16xi32>,
      %get3A_248 = vector.shape_cast %get3A_247 : vector<16xi32> to vector<16xi32>
      %add3A_249 = arith.addi %mul3A_245, %get3A_248 : vector<16xi32>
      %shift_right_arithmetic3A_250 = arith.constant 7 : i32
      %shift_right_arithmetic3A_251 = vector.broadcast %shift_right_arithmetic3A_250 : i32 to vector<16xi32>
      %shift_right_arithmetic3A_252 = arith.shrsi %add3A_249, %shift_right_arithmetic3A_251 : vector<16xi32>
      %shift_left3A_253 = arith.constant 10 : i32
      %shift_left3A_254 = vector.broadcast %shift_left3A_253 : i32 to vector<16xi32>
      %shift_left3A_255 = arith.shli %shift_right_arithmetic3A_252, %shift_left3A_254 : vector<16xi32>
      %and3A_256 = arith.constant 127 : i32
      %and3A_257 = vector.broadcast %and3A_256 : i32 to vector<16xi32>
      %and3A_258 = arith.andi %add3A_249, %and3A_257 : vector<16xi32>
      %add3A_259 = arith.addi %shift_left3A_255, %and3A_258 : vector<16xi32>
      %add3A_260 = arith.constant 0 : i32
      %add3A_261 = vector.broadcast %add3A_260 : i32 to vector<16xi32>
      %add3A_262 = arith.addi %add3A_259, %add3A_261 : vector<16xi32>
      %add3A_263 = arith.constant 0 : i32
      %add3A_264 = arith.addi %add3A_263, %scan3A_237 : i32
      %mul3A_265 = arith.constant 16 : i32
      %mul3A_266 = arith.muli %add3A_264, %mul3A_265 : i32
      %swap3A = arith.index_cast %mul3A_266 : i32 to index
      %swap3A_267 = tpu.vector_load %arg15[%swap3A] {strides = array<i32>} : memref<512xi32, #tpu.memory_space<vmem>>, vector<16xi32>,
      %swap3A_268 = vector.shape_cast %swap3A_267 : vector<16xi32> to vector<16xi32>
      %swap3A_269 = vector.shape_cast %add3A_262 : vector<16xi32> to vector<16xi32>
      tpu.vector_store %arg15[%swap3A], %swap3A_269 {strides = array<i32>} : memref<512xi32, #tpu.memory_space<vmem>>, vector<16xi32>,
      %add3A_270 = arith.constant 128 : i32
      %add3A_271 = vector.broadcast %add3A_270 : i32 to vector<16xi32>
      %add3A_272 = arith.addi %add3A_259, %add3A_271 : vector<16xi32>
      %add3A_273 = arith.constant 8 : i32
      %add3A_274 = arith.addi %add3A_273, %scan3A_237 : i32
      %mul3A_275 = arith.constant 16 : i32
      %mul3A_276 = arith.muli %add3A_274, %mul3A_275 : i32
      %swap3A_277 = arith.index_cast %mul3A_276 : i32 to index
      %swap3A_278 = tpu.vector_load %arg15[%swap3A_277] {strides = array<i32>} : memref<512xi32, #tpu.memory_space<vmem>>, vector<16xi32>,
      %swap3A_279 = vector.shape_cast %swap3A_278 : vector<16xi32> to vector<16xi32>
      %swap3A_280 = vector.shape_cast %add3A_272 : vector<16xi32> to vector<16xi32>
      tpu.vector_store %arg15[%swap3A_277], %swap3A_280 {strides = array<i32>} : memref<512xi32, #tpu.memory_space<vmem>>, vector<16xi32>,
      %add3A_281 = arith.constant 256 : i32
      %add3A_282 = vector.broadcast %add3A_281 : i32 to vector<16xi32>
      %add3A_283 = arith.addi %add3A_259, %add3A_282 : vector<16xi32>
      %add3A_284 = arith.constant 16 : i32
      %add3A_285 = arith.addi %add3A_284, %scan3A_237 : i32
      %mul3A_286 = arith.constant 16 : i32
      %mul3A_287 = arith.muli %add3A_285, %mul3A_286 : i32
      %swap3A_288 = arith.index_cast %mul3A_287 : i32 to index
      %swap3A_289 = tpu.vector_load %arg15[%swap3A_288] {strides = array<i32>} : memref<512xi32, #tpu.memory_space<vmem>>, vector<16xi32>,
      %swap3A_290 = vector.shape_cast %swap3A_289 : vector<16xi32> to vector<16xi32>
      %swap3A_291 = vector.shape_cast %add3A_283 : vector<16xi32> to vector<16xi32>
      tpu.vector_store %arg15[%swap3A_288], %swap3A_291 {strides = array<i32>} : memref<512xi32, #tpu.memory_space<vmem>>, vector<16xi32>,
      %add3A_292 = arith.constant 384 : i32
      %add3A_293 = vector.broadcast %add3A_292 : i32 to vector<16xi32>
      %add3A_294 = arith.addi %add3A_259, %add3A_293 : vector<16xi32>
      %add3A_295 = arith.constant 24 : i32
      %add3A_296 = arith.addi %add3A_295, %scan3A_237 : i32
      %mul3A_297 = arith.constant 16 : i32
      %mul3A_298 = arith.muli %add3A_296, %mul3A_297 : i32
      %swap3A_299 = arith.index_cast %mul3A_298 : i32 to index
      %swap3A_300 = tpu.vector_load %arg15[%swap3A_299] {strides = array<i32>} : memref<512xi32, #tpu.memory_space<vmem>>, vector<16xi32>,
      %swap3A_301 = vector.shape_cast %swap3A_300 : vector<16xi32> to vector<16xi32>
      %swap3A_302 = vector.shape_cast %add3A_294 : vector<16xi32> to vector<16xi32>
      tpu.vector_store %arg15[%swap3A_299], %swap3A_302 {strides = array<i32>} : memref<512xi32, #tpu.memory_space<vmem>>, vector<16xi32>,
      %add3A_303 = arith.constant 512 : i32
      %add3A_304 = vector.broadcast %add3A_303 : i32 to vector<16xi32>
      %add3A_305 = arith.addi %add3A_259, %add3A_304 : vector<16xi32>
      %add3A_306 = arith.constant 0 : i32
      %add3A_307 = arith.addi %add3A_306, %scan3A_237 : i32
      %mul3A_308 = arith.constant 16 : i32
      %mul3A_309 = arith.muli %add3A_307, %mul3A_308 : i32
      %swap3A_310 = arith.index_cast %mul3A_309 : i32 to index
      %swap3A_311 = tpu.vector_load %arg16[%swap3A_310] {strides = array<i32>} : memref<512xi32, #tpu.memory_space<vmem>>, vector<16xi32>,
      %swap3A_312 = vector.shape_cast %swap3A_311 : vector<16xi32> to vector<16xi32>
      %swap3A_313 = vector.shape_cast %add3A_305 : vector<16xi32> to vector<16xi32>
      tpu.vector_store %arg16[%swap3A_310], %swap3A_313 {strides = array<i32>} : memref<512xi32, #tpu.memory_space<vmem>>, vector<16xi32>,
      %add3A_314 = arith.constant 640 : i32
      %add3A_315 = vector.broadcast %add3A_314 : i32 to vector<16xi32>
      %add3A_316 = arith.addi %add3A_259, %add3A_315 : vector<16xi32>
      %add3A_317 = arith.constant 8 : i32
      %add3A_318 = arith.addi %add3A_317, %scan3A_237 : i32
      %mul3A_319 = arith.constant 16 : i32
      %mul3A_320 = arith.muli %add3A_318, %mul3A_319 : i32
      %swap3A_321 = arith.index_cast %mul3A_320 : i32 to index
      %swap3A_322 = tpu.vector_load %arg16[%swap3A_321] {strides = array<i32>} : memref<512xi32, #tpu.memory_space<vmem>>, vector<16xi32>,
      %swap3A_323 = vector.shape_cast %swap3A_322 : vector<16xi32> to vector<16xi32>
      %swap3A_324 = vector.shape_cast %add3A_316 : vector<16xi32> to vector<16xi32>
      tpu.vector_store %arg16[%swap3A_321], %swap3A_324 {strides = array<i32>} : memref<512xi32, #tpu.memory_space<vmem>>, vector<16xi32>,
      %add3A_325 = arith.constant 768 : i32
      %add3A_326 = vector.broadcast %add3A_325 : i32 to vector<16xi32>
      %add3A_327 = arith.addi %add3A_259, %add3A_326 : vector<16xi32>
      %add3A_328 = arith.constant 16 : i32
      %add3A_329 = arith.addi %add3A_328, %scan3A_237 : i32
      %mul3A_330 = arith.constant 16 : i32
      %mul3A_331 = arith.muli %add3A_329, %mul3A_330 : i32
      %swap3A_332 = arith.index_cast %mul3A_331 : i32 to index
      %swap3A_333 = tpu.vector_load %arg16[%swap3A_332] {strides = array<i32>} : memref<512xi32, #tpu.memory_space<vmem>>, vector<16xi32>,
      %swap3A_334 = vector.shape_cast %swap3A_333 : vector<16xi32> to vector<16xi32>
      %swap3A_335 = vector.shape_cast %add3A_327 : vector<16xi32> to vector<16xi32>
      tpu.vector_store %arg16[%swap3A_332], %swap3A_335 {strides = array<i32>} : memref<512xi32, #tpu.memory_space<vmem>>, vector<16xi32>,
      %add3A_336 = arith.constant 896 : i32
      %add3A_337 = vector.broadcast %add3A_336 : i32 to vector<16xi32>
      %add3A_338 = arith.addi %add3A_259, %add3A_337 : vector<16xi32>
      %add3A_339 = arith.constant 24 : i32
      %add3A_340 = arith.addi %add3A_339, %scan3A_237 : i32
      %mul3A_341 = arith.constant 16 : i32
      %mul3A_342 = arith.muli %add3A_340, %mul3A_341 : i32
      %swap3A_343 = arith.index_cast %mul3A_342 : i32 to index
      %swap3A_344 = tpu.vector_load %arg16[%swap3A_343] {strides = array<i32>} : memref<512xi32, #tpu.memory_space<vmem>>, vector<16xi32>,
      %swap3A_345 = vector.shape_cast %swap3A_344 : vector<16xi32> to vector<16xi32>
      %swap3A_346 = vector.shape_cast %add3A_338 : vector<16xi32> to vector<16xi32>
      tpu.vector_store %arg16[%swap3A_343], %swap3A_346 {strides = array<i32>} : memref<512xi32, #tpu.memory_space<vmem>>, vector<16xi32>,
      %add3A_347 = arith.constant 2097152 : i32
      %add3A_348 = vector.broadcast %add3A_347 : i32 to vector<16xi32>
      %add3A_349 = arith.addi %add3A_259, %add3A_348 : vector<16xi32>
      %add3A_350 = arith.constant 0 : i32
      %add3A_351 = arith.addi %add3A_350, %scan3A_237 : i32
      %mul3A_352 = arith.constant 16 : i32
      %mul3A_353 = arith.muli %add3A_351, %mul3A_352 : i32
      %swap3A_354 = arith.index_cast %mul3A_353 : i32 to index
      %swap3A_355 = tpu.vector_load %arg17[%swap3A_354] {strides = array<i32>} : memref<512xi32, #tpu.memory_space<vmem>>, vector<16xi32>,
      %swap3A_356 = vector.shape_cast %swap3A_355 : vector<16xi32> to vector<16xi32>
      %swap3A_357 = vector.shape_cast %add3A_349 : vector<16xi32> to vector<16xi32>
      tpu.vector_store %arg17[%swap3A_354], %swap3A_357 {strides = array<i32>} : memref<512xi32, #tpu.memory_space<vmem>>, vector<16xi32>,
      %add3A_358 = arith.constant 2097280 : i32
      %add3A_359 = vector.broadcast %add3A_358 : i32 to vector<16xi32>
      %add3A_360 = arith.addi %add3A_259, %add3A_359 : vector<16xi32>
      %add3A_361 = arith.constant 8 : i32
      %add3A_362 = arith.addi %add3A_361, %scan3A_237 : i32
      %mul3A_363 = arith.constant 16 : i32
      %mul3A_364 = arith.muli %add3A_362, %mul3A_363 : i32
      %swap3A_365 = arith.index_cast %mul3A_364 : i32 to index
      %swap3A_366 = tpu.vector_load %arg17[%swap3A_365] {strides = array<i32>} : memref<512xi32, #tpu.memory_space<vmem>>, vector<16xi32>,
      %swap3A_367 = vector.shape_cast %swap3A_366 : vector<16xi32> to vector<16xi32>
      %swap3A_368 = vector.shape_cast %add3A_360 : vector<16xi32> to vector<16xi32>
      tpu.vector_store %arg17[%swap3A_365], %swap3A_368 {strides = array<i32>} : memref<512xi32, #tpu.memory_space<vmem>>, vector<16xi32>,
      %add3A_369 = arith.constant 2097408 : i32
      %add3A_370 = vector.broadcast %add3A_369 : i32 to vector<16xi32>
      %add3A_371 = arith.addi %add3A_259, %add3A_370 : vector<16xi32>
      %add3A_372 = arith.constant 16 : i32
      %add3A_373 = arith.addi %add3A_372, %scan3A_237 : i32
      %mul3A_374 = arith.constant 16 : i32
      %mul3A_375 = arith.muli %add3A_373, %mul3A_374 : i32
      %swap3A_376 = arith.index_cast %mul3A_375 : i32 to index
      %swap3A_377 = tpu.vector_load %arg17[%swap3A_376] {strides = array<i32>} : memref<512xi32, #tpu.memory_space<vmem>>, vector<16xi32>,
      %swap3A_378 = vector.shape_cast %swap3A_377 : vector<16xi32> to vector<16xi32>
      %swap3A_379 = vector.shape_cast %add3A_371 : vector<16xi32> to vector<16xi32>
      tpu.vector_store %arg17[%swap3A_376], %swap3A_379 {strides = array<i32>} : memref<512xi32, #tpu.memory_space<vmem>>, vector<16xi32>,
      %add3A_380 = arith.constant 2097536 : i32
      %add3A_381 = vector.broadcast %add3A_380 : i32 to vector<16xi32>
      %add3A_382 = arith.addi %add3A_259, %add3A_381 : vector<16xi32>
      %add3A_383 = arith.constant 24 : i32
      %add3A_384 = arith.addi %add3A_383, %scan3A_237 : i32
      %mul3A_385 = arith.constant 16 : i32
      %mul3A_386 = arith.muli %add3A_384, %mul3A_385 : i32
      %swap3A_387 = arith.index_cast %mul3A_386 : i32 to index
      %swap3A_388 = tpu.vector_load %arg17[%swap3A_387] {strides = array<i32>} : memref<512xi32, #tpu.memory_space<vmem>>, vector<16xi32>,
      %swap3A_389 = vector.shape_cast %swap3A_388 : vector<16xi32> to vector<16xi32>
      %swap3A_390 = vector.shape_cast %add3A_382 : vector<16xi32> to vector<16xi32>
      tpu.vector_store %arg17[%swap3A_387], %swap3A_390 {strides = array<i32>} : memref<512xi32, #tpu.memory_space<vmem>>, vector<16xi32>,
      %add3A_391 = arith.constant 2097664 : i32
      %add3A_392 = vector.broadcast %add3A_391 : i32 to vector<16xi32>
      %add3A_393 = arith.addi %add3A_259, %add3A_392 : vector<16xi32>
      %add3A_394 = arith.constant 0 : i32
      %add3A_395 = arith.addi %add3A_394, %scan3A_237 : i32
      %mul3A_396 = arith.constant 16 : i32
      %mul3A_397 = arith.muli %add3A_395, %mul3A_396 : i32
      %swap3A_398 = arith.index_cast %mul3A_397 : i32 to index
      %swap3A_399 = tpu.vector_load %arg18[%swap3A_398] {strides = array<i32>} : memref<512xi32, #tpu.memory_space<vmem>>, vector<16xi32>,
      %swap3A_400 = vector.shape_cast %swap3A_399 : vector<16xi32> to vector<16xi32>
      %swap3A_401 = vector.shape_cast %add3A_393 : vector<16xi32> to vector<16xi32>
      tpu.vector_store %arg18[%swap3A_398], %swap3A_401 {strides = array<i32>} : memref<512xi32, #tpu.memory_space<vmem>>, vector<16xi32>,
      %add3A_402 = arith.constant 2097792 : i32
      %add3A_403 = vector.broadcast %add3A_402 : i32 to vector<16xi32>
      %add3A_404 = arith.addi %add3A_259, %add3A_403 : vector<16xi32>
      %add3A_405 = arith.constant 8 : i32
      %add3A_406 = arith.addi %add3A_405, %scan3A_237 : i32
      %mul3A_407 = arith.constant 16 : i32
      %mul3A_408 = arith.muli %add3A_406, %mul3A_407 : i32
      %swap3A_409 = arith.index_cast %mul3A_408 : i32 to index
      %swap3A_410 = tpu.vector_load %arg18[%swap3A_409] {strides = array<i32>} : memref<512xi32, #tpu.memory_space<vmem>>, vector<16xi32>,
      %swap3A_411 = vector.shape_cast %swap3A_410 : vector<16xi32> to vector<16xi32>
      %swap3A_412 = vector.shape_cast %add3A_404 : vector<16xi32> to vector<16xi32>
      tpu.vector_store %arg18[%swap3A_409], %swap3A_412 {strides = array<i32>} : memref<512xi32, #tpu.memory_space<vmem>>, vector<16xi32>,
      %add3A_413 = arith.constant 2097920 : i32
      %add3A_414 = vector.broadcast %add3A_413 : i32 to vector<16xi32>
      %add3A_415 = arith.addi %add3A_259, %add3A_414 : vector<16xi32>
      %add3A_416 = arith.constant 16 : i32
      %add3A_417 = arith.addi %add3A_416, %scan3A_237 : i32
      %mul3A_418 = arith.constant 16 : i32
      %mul3A_419 = arith.muli %add3A_417, %mul3A_418 : i32
      %swap3A_420 = arith.index_cast %mul3A_419 : i32 to index
      %swap3A_421 = tpu.vector_load %arg18[%swap3A_420] {strides = array<i32>} : memref<512xi32, #tpu.memory_space<vmem>>, vector<16xi32>,
      %swap3A_422 = vector.shape_cast %swap3A_421 : vector<16xi32> to vector<16xi32>
      %swap3A_423 = vector.shape_cast %add3A_415 : vector<16xi32> to vector<16xi32>
      tpu.vector_store %arg18[%swap3A_420], %swap3A_423 {strides = array<i32>} : memref<512xi32, #tpu.memory_space<vmem>>, vector<16xi32>,
      %add3A_424 = arith.constant 2098048 : i32
      %add3A_425 = vector.broadcast %add3A_424 : i32 to vector<16xi32>
      %add3A_426 = arith.addi %add3A_259, %add3A_425 : vector<16xi32>
      %add3A_427 = arith.constant 24 : i32
      %add3A_428 = arith.addi %add3A_427, %scan3A_237 : i32
      %mul3A_429 = arith.constant 16 : i32
      %mul3A_430 = arith.muli %add3A_428, %mul3A_429 : i32
      %swap3A_431 = arith.index_cast %mul3A_430 : i32 to index
      %swap3A_432 = tpu.vector_load %arg18[%swap3A_431] {strides = array<i32>} : memref<512xi32, #tpu.memory_space<vmem>>, vector<16xi32>,
      %swap3A_433 = vector.shape_cast %swap3A_432 : vector<16xi32> to vector<16xi32>
      %swap3A_434 = vector.shape_cast %add3A_426 : vector<16xi32> to vector<16xi32>
      tpu.vector_store %arg18[%swap3A_431], %swap3A_434 {strides = array<i32>} : memref<512xi32, #tpu.memory_space<vmem>>, vector<16xi32>,
    }
    %scan3A_104 = arith.constant 8 : i32
    %dma_start3A_105 = arith.constant 0 : i32
    %dma_start3A_106 = tpu.memref_slice %arg5[%dma_start3A_105] : memref<4194304xf32, #tpu.memory_space<hbm>> -> memref<4194304xf32, #tpu.memory_space<hbm>>
    tpu.enqueue_indirect_dma source(%dma_start3A_106 : memref<4194304xf32, #tpu.memory_space<hbm>>) target(%arg19 : memref<512xf32, #tpu.memory_space<vmem>>) offsets(%arg15 : memref<512xi32, #tpu.memory_space<vmem>>) semaphore(%arg25 : memref<!tpu.dma_semaphore, #tpu.memory_space<semaphore_mem>>)
    %dma_start3A_107 = arith.constant 0 : i32
    %dma_start3A_108 = tpu.memref_slice %arg5[%dma_start3A_107] : memref<4194304xf32, #tpu.memory_space<hbm>> -> memref<4194304xf32, #tpu.memory_space<hbm>>
    tpu.enqueue_indirect_dma source(%dma_start3A_108 : memref<4194304xf32, #tpu.memory_space<hbm>>) target(%arg20 : memref<512xf32, #tpu.memory_space<vmem>>) offsets(%arg16 : memref<512xi32, #tpu.memory_space<vmem>>) semaphore(%arg26 : memref<!tpu.dma_semaphore, #tpu.memory_space<semaphore_mem>>)
    %dma_start3A_109 = arith.constant 0 : i32
    %dma_start3A_110 = tpu.memref_slice %arg5[%dma_start3A_109] : memref<4194304xf32, #tpu.memory_space<hbm>> -> memref<4194304xf32, #tpu.memory_space<hbm>>
    tpu.enqueue_indirect_dma source(%dma_start3A_110 : memref<4194304xf32, #tpu.memory_space<hbm>>) target(%arg21 : memref<512xf32, #tpu.memory_space<vmem>>) offsets(%arg17 : memref<512xi32, #tpu.memory_space<vmem>>) semaphore(%arg27 : memref<!tpu.dma_semaphore, #tpu.memory_space<semaphore_mem>>)
    %dma_start3A_111 = arith.constant 0 : i32
    %dma_start3A_112 = tpu.memref_slice %arg5[%dma_start3A_111] : memref<4194304xf32, #tpu.memory_space<hbm>> -> memref<4194304xf32, #tpu.memory_space<hbm>>
    tpu.enqueue_indirect_dma source(%dma_start3A_112 : memref<4194304xf32, #tpu.memory_space<hbm>>) target(%arg22 : memref<512xf32, #tpu.memory_space<vmem>>) offsets(%arg18 : memref<512xi32, #tpu.memory_space<vmem>>) semaphore(%arg28 : memref<!tpu.dma_semaphore, #tpu.memory_space<semaphore_mem>>)
    %dma_wait3A_113 = arith.constant 0 : i32
    %dma_wait3A_114 = tpu.memref_slice %arg3[%dma_wait3A_113] : memref<4194304xf32, #tpu.memory_space<hbm>> -> memref<4194304xf32, #tpu.memory_space<hbm>>
    tpu.wait_indirect_dma semaphore(%arg24 : memref<!tpu.dma_semaphore, #tpu.memory_space<semaphore_mem>>) src(%dma_wait3A_114 : memref<4194304xf32, #tpu.memory_space<hbm>>) dst(%arg11 : memref<512xf32, #tpu.memory_space<vmem>>)
    %scan3A_115 = arith.constant 0 : i32
    %scan3A_116 = arith.constant 0 : i32
    %scan3A_117 = arith.constant 16 : i32
    %scan3A_118 = arith.addi %scan3A_116, %scan3A_117 : i32
    %scan3A_119 = arith.constant 1 : i32
    scf.for %scan3A_237 = %scan3A_116 to %scan3A_118 step %scan3A_119  : i32 {
      %mul3A_238 = arith.constant 16 : i32
      %mul3A_239 = arith.muli %scan3A_237, %mul3A_238 : i32
      %get3A_240 = arith.index_cast %mul3A_239 : i32 to index
      %get3A_241 = tpu.vector_load %arg11[%get3A_240] {strides = array<i32>} : memref<512xf32, #tpu.memory_space<vmem>>, vector<16xf32>,
      %get3A_242 = vector.shape_cast %get3A_241 : vector<16xf32> to vector<16xf32>
      %add3A_243 = arith.constant 16 : i32
      %add3A_244 = arith.addi %add3A_243, %scan3A_237 : i32
      %mul3A_245 = arith.constant 16 : i32
      %mul3A_246 = arith.muli %add3A_244, %mul3A_245 : i32
      %get3A_247 = arith.index_cast %mul3A_246 : i32 to index
      %get3A_248 = tpu.vector_load %arg11[%get3A_247] {strides = array<i32>} : memref<512xf32, #tpu.memory_space<vmem>>, vector<16xf32>,
      %get3A_249 = vector.shape_cast %get3A_248 : vector<16xf32> to vector<16xf32>
      %add3A_250 = arith.addf %get3A_242, %get3A_249 : vector<16xf32>
      %mul3A_251 = arith.constant 5.000000e-01 : f32
      %mul3A_252 = vector.broadcast %mul3A_251 : f32 to vector<16xf32>
      %mul3A_253 = arith.mulf %add3A_250, %mul3A_252 : vector<16xf32>
      %swap3A = arith.index_cast %scan3A_237 : i32 to index
      %swap3A_254 = arith.constant 0 : index
      %swap3A_255 = tpu.vector_load %arg12[%swap3A, %swap3A_254] {strides = array<i32>} : memref<16x16xf32, #tpu.memory_space<vmem>>, vector<1x16xf32>,
      %swap3A_256 = vector.shape_cast %swap3A_255 : vector<1x16xf32> to vector<16xf32>
      %swap3A_257 = vector.shape_cast %mul3A_253 : vector<16xf32> to vector<1x16xf32>
      tpu.vector_store %arg12[%swap3A, %swap3A_254], %swap3A_257 {strides = array<i32>} : memref<16x16xf32, #tpu.memory_space<vmem>>, vector<1x16xf32>,
    }
    %scan3A_120 = arith.constant 16 : i32
    %dma_start3A_121 = arith.constant 0 : i32
    %dma_start3A_122 = arith.constant 0 : i32
    %dma_start3A_123 = arith.constant 0 : i32
    %dma_start3A_124 = tpu.memref_slice %arg12[%dma_start3A_122, %dma_start3A_123] : memref<16x16xf32, #tpu.memory_space<vmem>> -> memref<8x16xf32, #tpu.memory_space<vmem>>
    %dma_start3A_125 = arith.constant 0 : i32
    %dma_start3A_126 = tpu.memref_slice %arg6[%dma_start3A_121, %select_n3A, %dma_start3A_125, %mul3A_32] : memref<2x4x8x128xf32, #tpu.memory_space<hbm>> -> memref<1x1x8x16xf32, #tpu.memory_space<hbm>>
    %dma_start3A_127 = tpu.memref_squeeze %dma_start3A_126 : memref<1x1x8x16xf32, #tpu.memory_space<hbm>> -> memref<8x16xf32, #tpu.memory_space<hbm>>
    %dma_start3A_128 = arith.constant 0 : i32
    %dma_start3A_129 = tpu.memref_slice %arg6[%dma_start3A_121, %select_n3A, %dma_start3A_128, %mul3A_32] : memref<2x4x8x128xf32, #tpu.memory_space<hbm>> -> memref<1x1x8x16xf32, #tpu.memory_space<hbm>>
    %dma_start3A_130 = tpu.memref_squeeze %dma_start3A_129 : memref<1x1x8x16xf32, #tpu.memory_space<hbm>> -> memref<8x16xf32, #tpu.memory_space<hbm>>
    %dma_start3A_131 = arith.constant 0 : i32
    %dma_start3A_132 = arith.constant 0 : i32
    %dma_start3A_133 = tpu.memref_slice %arg12[%dma_start3A_131, %dma_start3A_132] : memref<16x16xf32, #tpu.memory_space<vmem>> -> memref<8x16xf32, #tpu.memory_space<vmem>>
    tpu.enqueue_dma source(%dma_start3A_133 : memref<8x16xf32, #tpu.memory_space<vmem>>) target(%dma_start3A_130 : memref<8x16xf32, #tpu.memory_space<hbm>>) target_semaphore(%arg23 : memref<!tpu.dma_semaphore, #tpu.memory_space<semaphore_mem>>)
    %dma_start3A_134 = arith.constant 1 : i32
    %dma_start3A_135 = arith.constant 8 : i32
    %dma_start3A_136 = arith.constant 0 : i32
    %dma_start3A_137 = tpu.memref_slice %arg12[%dma_start3A_135, %dma_start3A_136] : memref<16x16xf32, #tpu.memory_space<vmem>> -> memref<8x16xf32, #tpu.memory_space<vmem>>
    %dma_start3A_138 = arith.constant 0 : i32
    %dma_start3A_139 = tpu.memref_slice %arg6[%dma_start3A_134, %select_n3A, %dma_start3A_138, %mul3A_32] : memref<2x4x8x128xf32, #tpu.memory_space<hbm>> -> memref<1x1x8x16xf32, #tpu.memory_space<hbm>>
    %dma_start3A_140 = tpu.memref_squeeze %dma_start3A_139 : memref<1x1x8x16xf32, #tpu.memory_space<hbm>> -> memref<8x16xf32, #tpu.memory_space<hbm>>
    %dma_start3A_141 = arith.constant 0 : i32
    %dma_start3A_142 = tpu.memref_slice %arg6[%dma_start3A_134, %select_n3A, %dma_start3A_141, %mul3A_32] : memref<2x4x8x128xf32, #tpu.memory_space<hbm>> -> memref<1x1x8x16xf32, #tpu.memory_space<hbm>>
    %dma_start3A_143 = tpu.memref_squeeze %dma_start3A_142 : memref<1x1x8x16xf32, #tpu.memory_space<hbm>> -> memref<8x16xf32, #tpu.memory_space<hbm>>
    %dma_start3A_144 = arith.constant 8 : i32
    %dma_start3A_145 = arith.constant 0 : i32
    %dma_start3A_146 = tpu.memref_slice %arg12[%dma_start3A_144, %dma_start3A_145] : memref<16x16xf32, #tpu.memory_space<vmem>> -> memref<8x16xf32, #tpu.memory_space<vmem>>
    tpu.enqueue_dma source(%dma_start3A_146 : memref<8x16xf32, #tpu.memory_space<vmem>>) target(%dma_start3A_143 : memref<8x16xf32, #tpu.memory_space<hbm>>) target_semaphore(%arg23 : memref<!tpu.dma_semaphore, #tpu.memory_space<semaphore_mem>>)
    %dma_wait3A_147 = arith.constant 0 : i32
    %dma_wait3A_148 = tpu.memref_slice %arg5[%dma_wait3A_147] : memref<4194304xf32, #tpu.memory_space<hbm>> -> memref<4194304xf32, #tpu.memory_space<hbm>>
    tpu.wait_indirect_dma semaphore(%arg25 : memref<!tpu.dma_semaphore, #tpu.memory_space<semaphore_mem>>) src(%dma_wait3A_148 : memref<4194304xf32, #tpu.memory_space<hbm>>) dst(%arg19 : memref<512xf32, #tpu.memory_space<vmem>>)
    %dma_start3A_149 = arith.constant 0 : i32
    %dma_start3A_150 = arith.constant 0 : i32
    %dma_start3A_151 = tpu.memref_slice %arg7[%dma_start3A_149, %add3A, %dma_start3A_150] : memref<2x32x1024xf32, #tpu.memory_space<hbm>> -> memref<1x1x512xf32, #tpu.memory_space<hbm>>
    %dma_start3A_152 = tpu.memref_squeeze %dma_start3A_151 : memref<1x1x512xf32, #tpu.memory_space<hbm>> -> memref<512xf32, #tpu.memory_space<hbm>>
    %dma_start3A_153 = arith.constant 0 : i32
    %dma_start3A_154 = tpu.memref_slice %arg7[%dma_start3A_149, %add3A, %dma_start3A_153] : memref<2x32x1024xf32, #tpu.memory_space<hbm>> -> memref<1x1x512xf32, #tpu.memory_space<hbm>>
    %dma_start3A_155 = tpu.memref_squeeze %dma_start3A_154 : memref<1x1x512xf32, #tpu.memory_space<hbm>> -> memref<512xf32, #tpu.memory_space<hbm>>
    tpu.enqueue_dma source(%arg19 : memref<512xf32, #tpu.memory_space<vmem>>) target(%dma_start3A_155 : memref<512xf32, #tpu.memory_space<hbm>>) target_semaphore(%arg23 : memref<!tpu.dma_semaphore, #tpu.memory_space<semaphore_mem>>)
    %dma_wait3A_156 = arith.constant 0 : i32
    %dma_wait3A_157 = tpu.memref_slice %arg5[%dma_wait3A_156] : memref<4194304xf32, #tpu.memory_space<hbm>> -> memref<4194304xf32, #tpu.memory_space<hbm>>
    tpu.wait_indirect_dma semaphore(%arg26 : memref<!tpu.dma_semaphore, #tpu.memory_space<semaphore_mem>>) src(%dma_wait3A_157 : memref<4194304xf32, #tpu.memory_space<hbm>>) dst(%arg20 : memref<512xf32, #tpu.memory_space<vmem>>)
    %dma_start3A_158 = arith.constant 0 : i32
    %dma_start3A_159 = arith.constant 512 : i32
    %dma_start3A_160 = tpu.memref_slice %arg7[%dma_start3A_158, %add3A, %dma_start3A_159] : memref<2x32x1024xf32, #tpu.memory_space<hbm>> -> memref<1x1x512xf32, #tpu.memory_space<hbm>>
    %dma_start3A_161 = tpu.memref_squeeze %dma_start3A_160 : memref<1x1x512xf32, #tpu.memory_space<hbm>> -> memref<512xf32, #tpu.memory_space<hbm>>
    %dma_start3A_162 = arith.constant 512 : i32
    %dma_start3A_163 = tpu.memref_slice %arg7[%dma_start3A_158, %add3A, %dma_start3A_162] : memref<2x32x1024xf32, #tpu.memory_space<hbm>> -> memref<1x1x512xf32, #tpu.memory_space<hbm>>
    %dma_start3A_164 = tpu.memref_squeeze %dma_start3A_163 : memref<1x1x512xf32, #tpu.memory_space<hbm>> -> memref<512xf32, #tpu.memory_space<hbm>>
    tpu.enqueue_dma source(%arg20 : memref<512xf32, #tpu.memory_space<vmem>>) target(%dma_start3A_164 : memref<512xf32, #tpu.memory_space<hbm>>) target_semaphore(%arg23 : memref<!tpu.dma_semaphore, #tpu.memory_space<semaphore_mem>>)
    %dma_wait3A_165 = arith.constant 0 : i32
    %dma_wait3A_166 = tpu.memref_slice %arg5[%dma_wait3A_165] : memref<4194304xf32, #tpu.memory_space<hbm>> -> memref<4194304xf32, #tpu.memory_space<hbm>>
    tpu.wait_indirect_dma semaphore(%arg27 : memref<!tpu.dma_semaphore, #tpu.memory_space<semaphore_mem>>) src(%dma_wait3A_166 : memref<4194304xf32, #tpu.memory_space<hbm>>) dst(%arg21 : memref<512xf32, #tpu.memory_space<vmem>>)
    %dma_start3A_167 = arith.constant 1 : i32
    %dma_start3A_168 = arith.constant 0 : i32
    %dma_start3A_169 = tpu.memref_slice %arg7[%dma_start3A_167, %add3A, %dma_start3A_168] : memref<2x32x1024xf32, #tpu.memory_space<hbm>> -> memref<1x1x512xf32, #tpu.memory_space<hbm>>
    %dma_start3A_170 = tpu.memref_squeeze %dma_start3A_169 : memref<1x1x512xf32, #tpu.memory_space<hbm>> -> memref<512xf32, #tpu.memory_space<hbm>>
    %dma_start3A_171 = arith.constant 0 : i32
    %dma_start3A_172 = tpu.memref_slice %arg7[%dma_start3A_167, %add3A, %dma_start3A_171] : memref<2x32x1024xf32, #tpu.memory_space<hbm>> -> memref<1x1x512xf32, #tpu.memory_space<hbm>>
    %dma_start3A_173 = tpu.memref_squeeze %dma_start3A_172 : memref<1x1x512xf32, #tpu.memory_space<hbm>> -> memref<512xf32, #tpu.memory_space<hbm>>
    tpu.enqueue_dma source(%arg21 : memref<512xf32, #tpu.memory_space<vmem>>) target(%dma_start3A_173 : memref<512xf32, #tpu.memory_space<hbm>>) target_semaphore(%arg23 : memref<!tpu.dma_semaphore, #tpu.memory_space<semaphore_mem>>)
    %dma_wait3A_174 = arith.constant 0 : i32
    %dma_wait3A_175 = tpu.memref_slice %arg5[%dma_wait3A_174] : memref<4194304xf32, #tpu.memory_space<hbm>> -> memref<4194304xf32, #tpu.memory_space<hbm>>
    tpu.wait_indirect_dma semaphore(%arg28 : memref<!tpu.dma_semaphore, #tpu.memory_space<semaphore_mem>>) src(%dma_wait3A_175 : memref<4194304xf32, #tpu.memory_space<hbm>>) dst(%arg22 : memref<512xf32, #tpu.memory_space<vmem>>)
    %dma_start3A_176 = arith.constant 1 : i32
    %dma_start3A_177 = arith.constant 512 : i32
    %dma_start3A_178 = tpu.memref_slice %arg7[%dma_start3A_176, %add3A, %dma_start3A_177] : memref<2x32x1024xf32, #tpu.memory_space<hbm>> -> memref<1x1x512xf32, #tpu.memory_space<hbm>>
    %dma_start3A_179 = tpu.memref_squeeze %dma_start3A_178 : memref<1x1x512xf32, #tpu.memory_space<hbm>> -> memref<512xf32, #tpu.memory_space<hbm>>
    %dma_start3A_180 = arith.constant 512 : i32
    %dma_start3A_181 = tpu.memref_slice %arg7[%dma_start3A_176, %add3A, %dma_start3A_180] : memref<2x32x1024xf32, #tpu.memory_space<hbm>> -> memref<1x1x512xf32, #tpu.memory_space<hbm>>
    %dma_start3A_182 = tpu.memref_squeeze %dma_start3A_181 : memref<1x1x512xf32, #tpu.memory_space<hbm>> -> memref<512xf32, #tpu.memory_space<hbm>>
    tpu.enqueue_dma source(%arg22 : memref<512xf32, #tpu.memory_space<vmem>>) target(%dma_start3A_182 : memref<512xf32, #tpu.memory_space<hbm>>) target_semaphore(%arg23 : memref<!tpu.dma_semaphore, #tpu.memory_space<semaphore_mem>>)
    %dma_wait3A_183 = arith.constant 0 : i32
    %dma_wait3A_184 = arith.constant 0 : i32
    %dma_wait3A_185 = arith.constant 0 : i32
    %dma_wait3A_186 = tpu.memref_slice %arg12[%dma_wait3A_184, %dma_wait3A_185] : memref<16x16xf32, #tpu.memory_space<vmem>> -> memref<8x16xf32, #tpu.memory_space<vmem>>
    %dma_wait3A_187 = arith.constant 0 : i32
    %dma_wait3A_188 = tpu.memref_slice %arg6[%dma_wait3A_183, %select_n3A, %dma_wait3A_187, %mul3A_32] : memref<2x4x8x128xf32, #tpu.memory_space<hbm>> -> memref<1x1x8x16xf32, #tpu.memory_space<hbm>>
    %dma_wait3A_189 = tpu.memref_squeeze %dma_wait3A_188 : memref<1x1x8x16xf32, #tpu.memory_space<hbm>> -> memref<8x16xf32, #tpu.memory_space<hbm>>
    %dma_wait3A_190 = arith.constant 0 : i32
    %dma_wait3A_191 = tpu.memref_slice %arg6[%dma_wait3A_183, %select_n3A, %dma_wait3A_190, %mul3A_32] : memref<2x4x8x128xf32, #tpu.memory_space<hbm>> -> memref<1x1x8x16xf32, #tpu.memory_space<hbm>>
    %dma_wait3A_192 = tpu.memref_squeeze %dma_wait3A_191 : memref<1x1x8x16xf32, #tpu.memory_space<hbm>> -> memref<8x16xf32, #tpu.memory_space<hbm>>
    %dma_wait3A_193 = arith.constant 0 : i32
    %dma_wait3A_194 = arith.constant 0 : i32
    %dma_wait3A_195 = tpu.memref_slice %arg12[%dma_wait3A_193, %dma_wait3A_194] : memref<16x16xf32, #tpu.memory_space<vmem>> -> memref<8x16xf32, #tpu.memory_space<vmem>>
    tpu.wait_dma2 semaphore(%arg23 : memref<!tpu.dma_semaphore, #tpu.memory_space<semaphore_mem>>) src(%dma_wait3A_195 : memref<8x16xf32, #tpu.memory_space<vmem>>) dst(%dma_wait3A_192 : memref<8x16xf32, #tpu.memory_space<hbm>>)
    %dma_wait3A_196 = arith.constant 1 : i32
    %dma_wait3A_197 = arith.constant 8 : i32
    %dma_wait3A_198 = arith.constant 0 : i32
    %dma_wait3A_199 = tpu.memref_slice %arg12[%dma_wait3A_197, %dma_wait3A_198] : memref<16x16xf32, #tpu.memory_space<vmem>> -> memref<8x16xf32, #tpu.memory_space<vmem>>
    %dma_wait3A_200 = arith.constant 0 : i32
    %dma_wait3A_201 = tpu.memref_slice %arg6[%dma_wait3A_196, %select_n3A, %dma_wait3A_200, %mul3A_32] : memref<2x4x8x128xf32, #tpu.memory_space<hbm>> -> memref<1x1x8x16xf32, #tpu.memory_space<hbm>>
    %dma_wait3A_202 = tpu.memref_squeeze %dma_wait3A_201 : memref<1x1x8x16xf32, #tpu.memory_space<hbm>> -> memref<8x16xf32, #tpu.memory_space<hbm>>
    %dma_wait3A_203 = arith.constant 0 : i32
    %dma_wait3A_204 = tpu.memref_slice %arg6[%dma_wait3A_196, %select_n3A, %dma_wait3A_203, %mul3A_32] : memref<2x4x8x128xf32, #tpu.memory_space<hbm>> -> memref<1x1x8x16xf32, #tpu.memory_space<hbm>>
    %dma_wait3A_205 = tpu.memref_squeeze %dma_wait3A_204 : memref<1x1x8x16xf32, #tpu.memory_space<hbm>> -> memref<8x16xf32, #tpu.memory_space<hbm>>
    %dma_wait3A_206 = arith.constant 8 : i32
    %dma_wait3A_207 = arith.constant 0 : i32
    %dma_wait3A_208 = tpu.memref_slice %arg12[%dma_wait3A_206, %dma_wait3A_207] : memref<16x16xf32, #tpu.memory_space<vmem>> -> memref<8x16xf32, #tpu.memory_space<vmem>>
    tpu.wait_dma2 semaphore(%arg23 : memref<!tpu.dma_semaphore, #tpu.memory_space<semaphore_mem>>) src(%dma_wait3A_208 : memref<8x16xf32, #tpu.memory_space<vmem>>) dst(%dma_wait3A_205 : memref<8x16xf32, #tpu.memory_space<hbm>>)
    %dma_wait3A_209 = arith.constant 0 : i32
    %dma_wait3A_210 = arith.constant 0 : i32
    %dma_wait3A_211 = tpu.memref_slice %arg7[%dma_wait3A_209, %add3A, %dma_wait3A_210] : memref<2x32x1024xf32, #tpu.memory_space<hbm>> -> memref<1x1x512xf32, #tpu.memory_space<hbm>>
    %dma_wait3A_212 = tpu.memref_squeeze %dma_wait3A_211 : memref<1x1x512xf32, #tpu.memory_space<hbm>> -> memref<512xf32, #tpu.memory_space<hbm>>
    %dma_wait3A_213 = arith.constant 0 : i32
    %dma_wait3A_214 = tpu.memref_slice %arg7[%dma_wait3A_209, %add3A, %dma_wait3A_213] : memref<2x32x1024xf32, #tpu.memory_space<hbm>> -> memref<1x1x512xf32, #tpu.memory_space<hbm>>
    %dma_wait3A_215 = tpu.memref_squeeze %dma_wait3A_214 : memref<1x1x512xf32, #tpu.memory_space<hbm>> -> memref<512xf32, #tpu.memory_space<hbm>>
    tpu.wait_dma2 semaphore(%arg23 : memref<!tpu.dma_semaphore, #tpu.memory_space<semaphore_mem>>) src(%arg19 : memref<512xf32, #tpu.memory_space<vmem>>) dst(%dma_wait3A_215 : memref<512xf32, #tpu.memory_space<hbm>>)
    %dma_wait3A_216 = arith.constant 0 : i32
    %dma_wait3A_217 = arith.constant 512 : i32
    %dma_wait3A_218 = tpu.memref_slice %arg7[%dma_wait3A_216, %add3A, %dma_wait3A_217] : memref<2x32x1024xf32, #tpu.memory_space<hbm>> -> memref<1x1x512xf32, #tpu.memory_space<hbm>>
    %dma_wait3A_219 = tpu.memref_squeeze %dma_wait3A_218 : memref<1x1x512xf32, #tpu.memory_space<hbm>> -> memref<512xf32, #tpu.memory_space<hbm>>
    %dma_wait3A_220 = arith.constant 512 : i32
    %dma_wait3A_221 = tpu.memref_slice %arg7[%dma_wait3A_216, %add3A, %dma_wait3A_220] : memref<2x32x1024xf32, #tpu.memory_space<hbm>> -> memref<1x1x512xf32, #tpu.memory_space<hbm>>
    %dma_wait3A_222 = tpu.memref_squeeze %dma_wait3A_221 : memref<1x1x512xf32, #tpu.memory_space<hbm>> -> memref<512xf32, #tpu.memory_space<hbm>>
    tpu.wait_dma2 semaphore(%arg23 : memref<!tpu.dma_semaphore, #tpu.memory_space<semaphore_mem>>) src(%arg20 : memref<512xf32, #tpu.memory_space<vmem>>) dst(%dma_wait3A_222 : memref<512xf32, #tpu.memory_space<hbm>>)
    %dma_wait3A_223 = arith.constant 1 : i32
    %dma_wait3A_224 = arith.constant 0 : i32
    %dma_wait3A_225 = tpu.memref_slice %arg7[%dma_wait3A_223, %add3A, %dma_wait3A_224] : memref<2x32x1024xf32, #tpu.memory_space<hbm>> -> memref<1x1x512xf32, #tpu.memory_space<hbm>>
    %dma_wait3A_226 = tpu.memref_squeeze %dma_wait3A_225 : memref<1x1x512xf32, #tpu.memory_space<hbm>> -> memref<512xf32, #tpu.memory_space<hbm>>
    %dma_wait3A_227 = arith.constant 0 : i32
    %dma_wait3A_228 = tpu.memref_slice %arg7[%dma_wait3A_223, %add3A, %dma_wait3A_227] : memref<2x32x1024xf32, #tpu.memory_space<hbm>> -> memref<1x1x512xf32, #tpu.memory_space<hbm>>
    %dma_wait3A_229 = tpu.memref_squeeze %dma_wait3A_228 : memref<1x1x512xf32, #tpu.memory_space<hbm>> -> memref<512xf32, #tpu.memory_space<hbm>>
    tpu.wait_dma2 semaphore(%arg23 : memref<!tpu.dma_semaphore, #tpu.memory_space<semaphore_mem>>) src(%arg21 : memref<512xf32, #tpu.memory_space<vmem>>) dst(%dma_wait3A_229 : memref<512xf32, #tpu.memory_space<hbm>>)
    %dma_wait3A_230 = arith.constant 1 : i32
    %dma_wait3A_231 = arith.constant 512 : i32
    %dma_wait3A_232 = tpu.memref_slice %arg7[%dma_wait3A_230, %add3A, %dma_wait3A_231] : memref<2x32x1024xf32, #tpu.memory_space<hbm>> -> memref<1x1x512xf32, #tpu.memory_space<hbm>>
    %dma_wait3A_233 = tpu.memref_squeeze %dma_wait3A_232 : memref<1x1x512xf32, #tpu.memory_space<hbm>> -> memref<512xf32, #tpu.memory_space<hbm>>
    %dma_wait3A_234 = arith.constant 512 : i32
    %dma_wait3A_235 = tpu.memref_slice %arg7[%dma_wait3A_230, %add3A, %dma_wait3A_234] : memref<2x32x1024xf32, #tpu.memory_space<hbm>> -> memref<1x1x512xf32, #tpu.memory_space<hbm>>
    %dma_wait3A_236 = tpu.memref_squeeze %dma_wait3A_235 : memref<1x1x512xf32, #tpu.memory_space<hbm>> -> memref<512xf32, #tpu.memory_space<hbm>>
    tpu.wait_dma2 semaphore(%arg23 : memref<!tpu.dma_semaphore, #tpu.memory_space<semaphore_mem>>) src(%arg22 : memref<512xf32, #tpu.memory_space<vmem>>) dst(%dma_wait3A_236 : memref<512xf32, #tpu.memory_space<hbm>>)
    return
  }
}

module attributes {stable_mosaic.version = 14 : i64} {
  func.func @_tc_body(%arg0: memref<16x512xf32, #tpu.memory_space<vmem>>, %arg1: memref<16x64xf32, #tpu.memory_space<vmem>>, %arg2: memref<64x1xf32, #tpu.memory_space<vmem>>, %arg3: memref<16x4096xf32, #tpu.memory_space<vmem>>, %arg4: memref<16x64xf32, #tpu.memory_space<vmem>>, %arg5: memref<64x1xf32, #tpu.memory_space<vmem>>, %arg6: memref<64x512xf32, #tpu.memory_space<vmem>>, %arg7: memref<64x4096xf32, #tpu.memory_space<vmem>>) attributes {dimension_semantics = [], scalar_prefetch = 0 : i64, scratch_operands = 0 : i64, tpu.core_type = #tpu.core_type<tc>} {
    %get3A = arith.constant 0 : index
    %get3A_0 = arith.constant 0 : index
    %get3A_1 = vector.load %arg1[%get3A, %get3A_0] : memref<16x64xf32, #tpu.memory_space<vmem>>, vector<16x64xf32>
    %get3A_2 = arith.constant 0 : index
    %get3A_3 = arith.constant 0 : index
    %get3A_4 = vector.load %arg0[%get3A_2, %get3A_3] : memref<16x512xf32, #tpu.memory_space<vmem>>, vector<16x512xf32>
    %dot_general3A = arith.constant dense<0.000000e+00> : vector<64x512xf32>
    %dot_general3A_5 = tpu.matmul %get3A_1, %get3A_4, %dot_general3A {dimension_numbers = #tpu.dot_dimension_numbers<[0], [0], [1], [1], [0, 1, 1, 1], [], []>, transpose_lhs_hint = false} : vector<16x64xf32>, vector<16x512xf32>, vector<64x512xf32> -> vector<64x512xf32>
    %get3A_6 = arith.constant 0 : index
    %get3A_7 = arith.constant 0 : index
    %get3A_8 = vector.load %arg2[%get3A_6, %get3A_7] : memref<64x1xf32, #tpu.memory_space<vmem>>, vector<64x1xf32>
    %add3A = vector.broadcast %get3A_8 : vector<64x1xf32> to vector<64x512xf32>
    %add3A_9 = arith.addf %dot_general3A_5, %add3A : vector<64x512xf32>
    %swap3A = arith.constant 0 : index
    %swap3A_10 = arith.constant 0 : index
    %swap3A_11 = vector.load %arg6[%swap3A, %swap3A_10] : memref<64x512xf32, #tpu.memory_space<vmem>>, vector<64x512xf32>
    tpu.vector_store %arg6[%swap3A, %swap3A_10], %add3A_9 {strides = array<i32>} : memref<64x512xf32, #tpu.memory_space<vmem>>, vector<64x512xf32>,
    %get3A_12 = arith.constant 0 : index
    %get3A_13 = arith.constant 0 : index
    %get3A_14 = vector.load %arg4[%get3A_12, %get3A_13] : memref<16x64xf32, #tpu.memory_space<vmem>>, vector<16x64xf32>
    %get3A_15 = arith.constant 0 : index
    %get3A_16 = arith.constant 0 : index
    %get3A_17 = vector.load %arg3[%get3A_15, %get3A_16] : memref<16x4096xf32, #tpu.memory_space<vmem>>, vector<16x4096xf32>
    %dot_general3A_18 = arith.constant dense<0.000000e+00> : vector<64x4096xf32>
    %dot_general3A_19 = tpu.matmul %get3A_14, %get3A_17, %dot_general3A_18 {dimension_numbers = #tpu.dot_dimension_numbers<[0], [0], [1], [1], [0, 1, 1, 1], [], []>, transpose_lhs_hint = false} : vector<16x64xf32>, vector<16x4096xf32>, vector<64x4096xf32> -> vector<64x4096xf32>
    %get3A_20 = arith.constant 0 : index
    %get3A_21 = arith.constant 0 : index
    %get3A_22 = vector.load %arg5[%get3A_20, %get3A_21] : memref<64x1xf32, #tpu.memory_space<vmem>>, vector<64x1xf32>
    %add3A_23 = vector.broadcast %get3A_22 : vector<64x1xf32> to vector<64x4096xf32>
    %add3A_24 = arith.addf %dot_general3A_19, %add3A_23 : vector<64x4096xf32>
    %swap3A_25 = arith.constant 0 : index
    %swap3A_26 = arith.constant 0 : index
    %swap3A_27 = vector.load %arg7[%swap3A_25, %swap3A_26] : memref<64x4096xf32, #tpu.memory_space<vmem>>, vector<64x4096xf32>
    tpu.vector_store %arg7[%swap3A_25, %swap3A_26], %add3A_24 {strides = array<i32>} : memref<64x4096xf32, #tpu.memory_space<vmem>>, vector<64x4096xf32>,
    return
  }
}

</mosaic_0001>

<sc_bundles>
// kernel: kernel.4.cloned.1.call-start
scs
__scs_entry_jumppad:
0x0: {  	(pc) =	sbr.rel $0x88, $3  }
0x1: {  	(tag) =	ssettag $0x0;
	lr =	simm.s32 $0x1  }
0x2: {  	[smem:$0x3F99] =	sst lr;
	_ =	strace $0xD0000000  }
0x3: {  	_ = 	snop  }
0x4: {  	_ = 	snop  }
0x5: {  	_ = 	snop  }
0x6: {  	_ = 	snop  }
0x7: {  	_ = 	snop  }
__scs_overlays_trampoline_lowered:
0x8: {  	[smem:$0x3FA8] =	sst s0  }
0x9: {  	[smem:$0x3FA9] =	sst s1  }
0xa: {  	[smem:$0x3FAA] =	sst s2  }
0xb: {  	[smem:$0x3FAB] =	sst s3  }
0xc: {  	[smem:$0x3FAC] =	sst s4  }
0xd: {  	[smem:$0x3FAD] =	sst s5  }
0xe: {  	[smem:$0x3FAE] =	sst s6  }
0xf: {  	[smem:$0x3FAF] =	sst s7  }
0x10: {  	[smem:$0x3FB0] =	sst s8  }
0x11: {  	[smem:$0x3FB1] =	sst s9;
	s0 =	simm.s32 @!p0 $0x0  }
0x12: {  	s1 =	sld [smem:$0x3F97];
	s0 =	simm.s32 @p0 $0x1  }
0x13: {  	[smem:$0x3FB2] =	sst s0;
	s0 =	simm.s32 @!p1 $0x0  }
0x14: {  	s2 =	sld [smem:$0x3F96];
	s0 =	simm.s32 @p1 $0x1  }
0x15: {  	[smem:$0x3FB3] =	sst s0;
	s0 =	simm.s32 @!p2 $0x0  }
0x16: {  	s3 =	sld [smem:$0x3FDB];
	s0 =	simm.s32 @p2 $0x1  }
0x17: {  	s4 =	simm.s32 $0x1BF5;
	[smem:$0x3FB5] =	sst s0  }
0x18: {  	s0 =	sld [smem:$0x3F98];
	_ =	swait.ge [sflag:s4], $0x0  }
0x19: {  	s7 =	sld [smem:$0x3F99]  }
0x1a: {  	s8 =	sadd.s32 $0xFFFFE003, lr  }
0x1b: {  	s9 =	sadd.s32 $0xFFFFFEF7, lr;
	s5 =	simm.s32 $0xFFFFFFFF;
	p2 =	slt.u32 s8, $0xFFFFF086  }
0x1c: {  	p1 =	slt.u32 s9, $0xF7A;
	s5 =	simm.s32 @!p2 $0x0  }
0x1d: {  	s5 =	simm.s32 @p1 $0x1;
	p0 =	seq.s32 s7, s2  }
0x1e: {  	s7 =	smul.u32 @!p0 $0xF7A, s2;
	p2 =	seq.s32 @!p0 s5, $0x0  }
0x1f: {  	s9 =	smul.u32 $0xF7A, s1;
	s8 =	simm.s32 @!p0 $0x1BF5;
	p2 =	por !p2, p0  }
0x20: {  	[sflag:s8] =	ssyncset.s32 @!p0 $0xFFFFF086;
	s6 =	sadd.s32 @!p0 s3, s7;
	s7 =	simm.s32 @!p0 $0x108  }
0x21: {  	s3 =	sadd.s32 s3, s9;
	s6 =	sadd.s32 @!p0 $0x88, s6;
	s7 =	simm.s32 @p2 $0x1082  }
0x22: {  	[simem:s7], [sflag:s8] =	dma.local @!p0 [hbm:s6], $0xF7A  }
0x23: {  	s9 =	sor.u32 $0xD0000000, s2;
	s6 =	simm.s32 $0x108;
	_ =	swait.ge @!p0 [sflag:s8], $0x0  }
0x24: {  	s3 =	sadd.s32 $0x88, s3;
	s6 =	simm.s32 @!p1 $0x1082;
	[sflag:s4] =	ssyncset.s32 $0xFFFFF086  }
0x25: {  	[simem:s6], [sflag:s4] =	dma.local [hbm:s3], $0xF7A  }
0x26: {  	[smem:$0x3F99] =	sst s1;
	(tag) =	ssettag s2;
	_ =	strace s9  }
0x27: {  	s1 =	sld [smem:$0x3FA9]  }
0x28: {  	s2 =	sld [smem:$0x3FAA]  }
0x29: {  	s4 =	sld [smem:$0x3FAC]  }
0x2a: {  	p0 =	seq.s32 s5, $0x0;
	s5 =	sld [smem:$0x3FAD]  }
0x2b: {  	s6 =	sld [smem:$0x3FAE]  }
0x2c: {  	s7 =	sld [smem:$0x3FAF]  }
0x2d: {  	s3 =	simm.s32 $0x108;
	s8 =	sld [smem:$0x3FB0]  }
0x2e: {  	s3 =	simm.s32 @!p0 $0x1082;
	s9 =	sld [smem:$0x3FB1]  }
0x2f: {  	lr =	sadd.s32 s0, s3;
	s0 =	sld [smem:$0x3FA8]  }
0x30: {  	s3 =	sld [smem:$0x3FAB]  }
0x31: {  	[smem:$0x3FB4] =	sst s10  }
0x32: {  	s10 =	sld [smem:$0x3FB2];
	_ =	sdelay $0x3  }
0x33: {  	p0 =	seq.s32 s10, $0x1;
	s10 =	sld [smem:$0x3FB4];
	_ =	sdelay $0x3  }
0x34: {  	[smem:$0x3FB4] =	sst s10  }
0x35: {  	s10 =	sld [smem:$0x3FB3];
	_ =	sdelay $0x3  }
0x36: {  	p1 =	seq.s32 s10, $0x1;
	s10 =	sld [smem:$0x3FB4];
	_ =	sdelay $0x3  }
0x37: {  	[smem:$0x3FB4] =	sst s10  }
0x38: {  	s10 =	sld [smem:$0x3FB5]  }
0x39: {  	_ = 	snop;
	(pc) =	sbr.ind lr, $3  }
0x3a: {  	_ = 	snop  }
0x3b: {  	_ = 	snop  }
0x3c: {  	p2 =	seq.s32 s10, $0x1;
	s10 =	sld [smem:$0x3FB4]  }
0x3d: {  	_ =	shalt  }
0x3e: {  	_ =	shalt  }
0x3f: {  	_ =	shalt  }
0x40: {  	_ =	shalt  }
0x41: {  	_ =	shalt  }
0x42: {  	_ =	shalt  }
0x43: {  	_ =	shalt  }
0x44: {  	_ =	shalt  }
0x45: {  	_ =	shalt  }
0x46: {  	_ =	shalt  }
0x47: {  	_ =	shalt  }
0x48: {  	_ =	shalt  }
0x49: {  	_ =	shalt  }
0x4a: {  	_ =	shalt  }
0x4b: {  	_ =	shalt  }
0x4c: {  	_ =	shalt  }
0x4d: {  	_ =	shalt  }
0x4e: {  	_ =	shalt  }
0x4f: {  	_ =	shalt  }
0x50: {  	_ =	shalt  }
0x51: {  	_ =	shalt  }
0x52: {  	_ =	shalt  }
0x53: {  	_ =	shalt  }
0x54: {  	_ =	shalt  }
0x55: {  	_ =	shalt  }
0x56: {  	_ =	shalt  }
0x57: {  	_ =	shalt  }
0x58: {  	_ =	shalt  }
0x59: {  	_ =	shalt  }
0x5a: {  	_ =	shalt  }
0x5b: {  	_ =	shalt  }
0x5c: {  	_ =	shalt  }
0x5d: {  	_ =	shalt  }
0x5e: {  	_ =	shalt  }
0x5f: {  	_ =	shalt  }
0x60: {  	_ =	shalt  }
0x61: {  	_ =	shalt  }
0x62: {  	_ =	shalt  }
0x63: {  	_ =	shalt  }
0x64: {  	_ =	shalt  }
0x65: {  	_ =	shalt  }
0x66: {  	_ =	shalt  }
0x67: {  	_ =	shalt  }
0x68: {  	_ =	shalt  }
0x69: {  	_ =	shalt  }
0x6a: {  	_ =	shalt  }
0x6b: {  	_ =	shalt  }
0x6c: {  	_ =	shalt  }
0x6d: {  	_ =	shalt  }
0x6e: {  	_ =	shalt  }
0x6f: {  	_ =	shalt  }
0x70: {  	_ =	shalt  }
0x71: {  	_ =	shalt  }
0x72: {  	_ =	shalt  }
0x73: {  	_ =	shalt  }
0x74: {  	_ =	shalt  }
0x75: {  	_ =	shalt  }
0x76: {  	_ =	shalt  }
0x77: {  	_ =	shalt  }
0x78: {  	_ =	shalt  }
0x79: {  	_ =	shalt  }
0x7a: {  	_ =	shalt  }
0x7b: {  	_ =	shalt  }
0x7c: {  	_ =	shalt  }
0x7d: {  	_ =	shalt  }
0x7e: {  	_ =	shalt  }
0x7f: {  	_ =	shalt  }
0x80: {  	_ =	shalt  }
0x81: {  	_ =	shalt  }
0x82: {  	_ =	shalt  }
0x83: {  	_ =	shalt  }
0x84: {  	_ =	shalt  }
0x85: {  	_ =	shalt  }
0x86: {  	_ =	shalt  }
0x87: {  	_ =	shalt  }
.Lfunc_end0:
.L_simem_size_0:
called_computation_lowered:
.L_overlay_start_0:
0x88: {  	s2 =	sld [smem:$0x3FD9]  }
0x89: {  	s3 =	sld [smem:$0x3FFE];
	_ =	sdelay $0x1  }
0x8a: {  	s1 =	srdreg.scid  }
0x8b: {  	s0 =	sand.u32 $0x1, s1  }
0x8c: {  	s15 =	sshll.u32 s0, $0xA;
	s2 =	sadd.s32 s3, s2  }
0x8d: {  	s2 =	sadd.s32 s2, s15  }
0x8e: {  	[smem:$0x3FC0] =	sst s2  }
0x8f: {  	_ = 	snop  }
0x90: {  	s2 =	sld [smem:$0x3FC9]  }
0x91: {  	s16 =	sld [smem:$0x3FD0]  }
0x92: {  	s4 =	sld [smem:$0x3FC8]  }
0x93: {  	s5 =	sld [smem:$0x3FC7]  }
0x94: {  	s7 =	simm.s32 $0xA;
	s8 =	simm.s32 $0x10;
	s6 =	sld [smem:$0x3FC6]  }
0x95: {  	[smem:s8], [sflag:s7] =	dma.local [hbm:s16], $0x1  }
0x96: {  	_ =	swait.eq [sflag:s7], $0x1  }
0x97: {  	[sflag:s7] =	ssyncset.done $0x0  }
0x98: {  	s17 =	sld [smem:$0x10];
	[sflag:s7] =	ssyncadd.s32 $0xFFFFFFFF  }
0x99: {  	s18 =	sld [smem:$0x11];
	(tm) =	ssettm $0x1  }
0x9a: {  	s19 =	sld [smem:$0x3FFB];
	_ =	sdelay $0x3  }
0x9b: {  	_ =	strace s19  }
0x9c: {  	s8 =	sld [smem:$0x3FFC];
	_ =	sdelay $0x3  }
0x9d: {  	_ =	strace s8  }
0x9e: {  	s8 =	sld [smem:$0x3FFD];
	_ =	sdelay $0x3  }
0x9f: {  	_ =	strace s8  }
0xa0: {  	_ =	strace $0x8FFFFFFF  }
0xa1: {  	s20 =	sld [smem:$0x3FDB];
	_ =	sdelay $0x1  }
0xa2: {  	s9 =	simm.s32 $_scs_section_size  }
0xa3: {  	s10 =	simm.s32 $_size__tile_overlayer_lowered;
	s11 =	simm.s32 $_tile_overlayer_lowered  }
0xa4: {  	s23 =	simm.s32 $0x1BFF;
	s22 =	sshll.u32 s11, $0x1;
	s8 =	sadd.s32 s9, s20  }
0xa5: {  	s12 =	simm.s32 $0x0;
	s21 =	sshll.u32 s10, $0x1;
	s10 =	sadd.s32 s22, s8  }
0xa6: {  	[timem:s12], [sflag:s23] =	dma.local [hbm:s10], s21  }
0xa7: {  	_ =	swait.ge [sflag:s23], s21  }
0xa8: {  	s9 =	ssub.s32 $0x0, s21;
	[sflag:s23] =	ssyncset.done $0x0  }
0xa9: {  	[sflag:s23] =	ssyncadd.s32 s9;
	_ =	sdelay $0x1  }
0xaa: {  	s24 =	simm.s32 $0x1B8B  }
0xab: {  	_ =	swait.ge [sflag:s24], $0x1  }
0xac: {  	[sflag:s24] =	ssyncset.done $0x0  }
0xad: {  	s25 =	simm.s32 $0x1B8E;
	[sflag:s24] =	ssyncadd.s32 $0xFFFFFFFF  }
0xae: {  	s26 =	simm.s32 $execute0_lowered;
	[smem:$0x3FD2] =	sst s25  }
0xaf: {  	s9 =	sshll.u32 s26, $0x1;
	_ =	strace $0x80000046;
	[dreg:$0x1] =	wrdreg $0xFFFFFFFF  }
0xb0: {  	s28 =	simm.s32 $_size_execute0_lowered;
	s8 =	sadd.s32 s8, s9;
	[dreg:$0x0] =	wrdreg $0x0  }
0xb1: {  	s9 =	sshll.u32 s28, $0x1;
	[dreg:$0x2] =	wrdreg s8  }
0xb2: {  	[dreg:$0x3] =	wrdreg s9  }
0xb3: {  	[dreg:$0x4] =	wrdreg $0xC0  }
0xb4: {  	_ =	task [dreg:s12], $0x5FFFF  }
0xb5: {  	[dreg:$0x1] =	wrdreg $0xFFFFFFFF  }
0xb6: {  	[dreg:$0x0] =	wrdreg $0x60  }
0xb7: {  	[dreg:$0x2] =	wrdreg s4  }
0xb8: {  	[dreg:$0x3] =	wrdreg s2  }
0xb9: {  	[dreg:$0x4] =	wrdreg s6  }
0xba: {  	[dreg:$0x5] =	wrdreg s5  }
0xbb: {  	[dreg:$0x6] =	wrdreg s17  }
0xbc: {  	[dreg:$0x7] =	wrdreg s18  }
0xbd: {  	[dreg:$0x8] =	wrdreg $0x9  }
0xbe: {  	_ =	task.clear_ibuf [dreg:s12], $0x9FFFF;
	_ =	strace $0x90000046  }
0xbf: {  	s29 =	simm.s32 $0x9;
	_ =	strace $0x80000048  }
0xc0: {  	_ =	swait.ge [sflag:s29], $0x1  }
0xc1: {  	[sflag:s29] =	ssyncadd.s32 $0xFFFFFFFF  }
0xc2: {  	_ =	strace $0x90000048  }
0xc3: {  	_ =	sfence  }
0xc4: {  	s30 =	sld [smem:$0x0];
	_ =	sdelay $0x2  }
0xc5: {  	s31 =	sshll.u32 s1, $0xD;
	s1 =	sshrl.u32 s1, $0x2  }
0xc6: {  	s3 =	sand.u32 $0x4000, s31;
	s1 =	sadd.s32 s1, s30  }
0xc7: {  	s0 =	sor.u32 s3, s0;
	s1 =	sshll.u32 s1, $0x11  }
0xc8: {  	s0 =	sor.u32 s1, s0  }
0xc9: {  	s0 =	sadd.s32 $0x8F2B, s0  }
0xca: {  	[sflag:s0] =	ssyncadd.remote.s32 $0x1  }
0xcb: {  	_ =	sfence.sel $0xFFFF  }
0xcc: {  	[dreg:$0x0] =	wrdreg $0xFFFFFFFF;
	(pc) =	sbr.abs _section_cstart, $3  }
0xcd: {  	[dreg:$0x1] =	wrdreg $0xFFFFFFFF  }
0xce: {  	_ =	task.clear_ibuf [dreg:s12], $0x2FFFF;
	_ =	strace $0x9FFFFFFF  }
0xcf: {  	(tm) =	ssettm $0x7FFFFFFF  }
tec
execute0_lowered:
.L_overlay_start_1:
0x0: {  	(tag) =	ssettag $0x1  }
0x1: {  	s0 =	rddreg [dreg:$0x0]  }
0x2: {  	s1 =	rddreg [dreg:$0x2]  }
0x3: {  	s2 =	rddreg [dreg:$0x3]  }
0x4: {  	s3 =	srdreg.scid;
	s8 =	rddreg [dreg:$0x4]  }
0x5: {  	s5 =	stileid.u32;
	s9 =	rddreg [dreg:$0x5];
	s16 =	simm.s32 $0x10  }
0x6: {  	s19 =	simm.s32 $0x1;
	s20 =	simm.s32 $0x200;
	s29 =	simm.s32 $0x1220  }
0x7: {  	s31 =	simm.s32 $0x1420;
	s18 =	simm.s32 $0x3;
	s21 =	simm.s32 $0x4  }
0x8: {  	s22 =	simm.s32 $0x5;
	s3 =	sand.u32 $0x1, s3;
	s4 =	sshll.u32 s5, $0x1  }
0x9: {  	s6 =	sshrl.u32 s5, $0x2;
	s7 =	sor.u32 s3, s4;
	s4 =	simm.s32 $0x0  }
0xa: {  	s24 =	sshll.u32 s6, $0x8;
	s3 =	ssub.s32 $0x2, s3;
	s25 =	sshll.u32 s6, $0xA  }
0xb: {  	s23 =	sshll.u32 s7, $0x4;
	[smem:$0x7FF] =	sst s4;
	s11 =	sshrl.u32 s3, $0x1  }
0xc: {  	s28 =	sshll.u32 s7, $0x5;
	s30 =	sshll.u32 s7, $0x7;
	s10 =	sand.u32 $0x70, s23  }
0xd: {  	_ =	strace $0x80000047;
	s3 =	ssub.s32 s3, s11;
	s7 =	sadd.s32 s1, s28  }
0xe: {  	s9 =	sadd.s32 s9, s30;
	s23 =	simm.s32 $0x6;
	s5 =	sor.u32 s24, s10  }
0xf: {  	s12 =	sadd.s32 $0x40, s9;
	s13 =	sadd.s32 $0x1000, s9;
	s14 =	sadd.s32 $0x1040, s9  }
0x10: {  	s15 =	smax.u32 s3, $0x1;
	s24 =	simm.s32 $0xE20;
	s5 =	sshrl.u32 s5, $0x3  }
0x11: {  	s3 =	simm.s32 $0x2;
	s5 =	sadd.s32 s0, s5;
	s0 =	sor.u32 s25, s10  }
0x12: {  	s10 =	sadd.s32 $0x10, s7;
	s26 =	sadd.s32 $0x10, s5;
	s0 =	sshrl.u32 s0, $0x3  }
0x13: {  	s25 =	simm.s32 $0x0;
	[dreg:$0x7] =	wrdreg s26;
	s8 =	sadd.s32 s8, s0  }
0x14: {  	s26 =	simm.s32 $0x1020;
	s0 =	simm.s32 $0x80;
	s11 =	sadd.s32 $0x200, s8  }
.LBB2_1:
0x15: {  	[tilespmem:s4], [sflag:$0x1] =	stream.linear.gather [hbm4b:s5+s4], $0x10, $0x38;
	[tilespmem:$0x1620] =	vst v63  }
0x16: {  	s1 =	rddreg [dreg:$0x7]  }
0x17: {  	[tilespmem:s16], [sflag:$0x1] =	stream.linear.gather [hbm4b:s1+s4], $0x10, $0x38;
	[tilespmem:$0x1620] =	vst v63  }
0x18: {  	s17 =	simm.s32 $0x520  }
0x19: {  	[tilespmem:s17], [sflag:$0x1] =	stream.linear.gather [hbm4b:s7+s4], $0x80, $0x38;
	[tilespmem:$0x1620] =	vst v63  }
0x1a: {  	s6 =	simm.s32 $0x5A0  }
0x1b: {  	[tilespmem:s6], [sflag:$0x1] =	stream.linear.gather [hbm4b:s10+s4], $0x80, $0x38;
	[tilespmem:$0x1620] =	vst v63  }
0x1c: {  	_ =	swait.ge [sflag:s19], $0x10  }
0x1d: {  	[sflag:s19] =	ssyncset.done $0x0  }
0x1e: {  	[sflag:s19] =	ssyncadd.s32 $0xFFFFFFF0  }
0x1f: {  	_ =	swait.ge [sflag:s19], $0x10  }
0x20: {  	[sflag:s19] =	ssyncset.done $0x0  }
0x21: {  	[sflag:s19] =	ssyncadd.s32 $0xFFFFFFF0  }
0x22: {  	v0 =	vld [tilespmem:$0x0]  }
0x23: {  	v1 =	vld [tilespmem:$0x10];
	_ =	sdelay $0x4  }
0x24: {  	v2 =	vshll.u32 v1, $0xC;
	v3 =	vshll.u32 v0, $0x3  }
0x25: {  	v4 =	vshll.u32 v0, $0xC;
	v2 =	vadd.s32 v3, v2;
	v3 =	vshll.u32 v1, $0x3  }
0x26: {  	s28 =	sand.u32 $0x380, s4;
	s17 =	sand.u32 $0x200000, s4;
	v0 =	vand.u32 $0x7F, v0;
	v3 =	vadd.s32 v4, v3;
	v2 =	vand.u32 $0xFFFFFC00, v2  }
0x27: {  	s1 =	sor.u32 s28, s17;
	v1 =	vand.u32 $0x7F, v1;
	v3 =	vand.u32 $0xFFFFFC00, v3;
	v0 =	vor.u32 v0, v2  }
0x28: {  	s28 =	simm.s32 $0x120;
	v1 =	vor.u32 v1, v3;
	v2 =	vadd.s32 s1, v0  }
0x29: {  	v3 =	vadd.s32 s1, v1;
	[tilespmem:s28+$0x0] =	vst v2  }
0x2a: {  	s30 =	simm.s32 $0x40000;
	s1 =	simm.s32 $0x0;
	[tilespmem:s28+$0xFFFFFF00] =	vst v3  }
.LBB2_2:
0x2b: {  	s17 =	sand.u32 $0x200000, s30;
	s1 =	sadd.s32 $0x80, s1;
	p0 =	sne.s32 s30, $0x3C0000  }
.Ltmp0:
0x2c: {  	s30 =	sadd.s32 $0x40000, s30;
	s6 =	sand.u32 $0x380, s1;
	(pc) =	sbr.rel @p0 .LBB2_2-.Ltmp0, $4  }
0x2d: {  	s6 =	sor.u32 s6, s17  }
0x2e: {  	s28 =	sadd.s32 $0x10, s28;
	v2 =	vadd.s32 s6, v1;
	v3 =	vadd.s32 s6, v0  }
0x2f: {  	[tilespmem:s28+$0x0] =	vst v3  }
0x30: {  	[tilespmem:s28+$0xFFFFFF00] =	vst v2  }
0x31: {  	s1 =	rddreg [dreg:$0x1];
	s6 =	simm.s32 $0x20;
	s17 =	simm.s32 $0x220  }
0x32: {  	[tilespmem:s17], [sflag:$0x2] =	stream.indirect.gather [hbm4b:s1+s20], $0x1, s6, s20, $0xb8;
	[tilespmem:$0x1620] =	vst v63  }
0x33: {  	_ =	swait.ge [sflag:s19], $0x80  }
0x34: {  	[sflag:s19] =	ssyncset.done $0x0  }
0x35: {  	[sflag:s19] =	ssyncadd.s32 $0xFFFFFF80  }
0x36: {  	_ =	swait.ge [sflag:s19], $0x80  }
0x37: {  	[sflag:s19] =	ssyncset.done $0x0  }
0x38: {  	s28 =	simm.s32 $0x0;
	[sflag:s19] =	ssyncadd.s32 $0xFFFFFF80  }
0x39: {  	v0 =	vld [tilespmem:s28+$0x520]  }
0x3a: {  	v1 =	vld [tilespmem:s28+$0x5A0];
	_ =	sdelay $0x4  }
0x3b: {  	v0 =	vshll.u32 v0, $0xC;
	v2 =	vshll.u32 v1, $0x3  }
0x3c: {  	v0 =	vadd.s32 v0, v2  }
0x3d: {  	v1 =	vand.u32 $0x7F, v1;
	v0 =	vand.u32 $0xFFFFFC00, v0  }
0x3e: {  	v3 =	vor.u32 v1, v0  }
0x3f: {  	[tilespmem:s28+$0x620] =	vst v3;
	v0 =	vadd.s32 $0x200380, v3  }
0x40: {  	v4 =	vor.u32 $0x80, v3;
	v1 =	vor.u32 $0x300, v3;
	v2 =	vadd.s32 $0x200300, v3;
	[tilespmem:s28+$0xDA0] =	vst v0  }
0x41: {  	v5 =	vor.u32 $0x200, v3;
	v6 =	vadd.s32 $0x200280, v3;
	v8 =	vor.u32 $0x280, v3;
	[tilespmem:s28+$0xD20] =	vst v2  }
0x42: {  	v10 =	vadd.s32 $0x200200, v3;
	v7 =	vadd.s32 $0x200000, v3;
	v9 =	vadd.s32 $0x200180, v3;
	[tilespmem:s28+$0xCA0] =	vst v6  }
0x43: {  	s30 =	simm.s32 $0x40;
	v0 =	vor.u32 $0x100, v3;
	v2 =	vor.u32 $0x180, v3;
	v6 =	vor.u32 $0x380, v3;
	[tilespmem:s28+$0xC20] =	vst v10  }
.LBB2_4:
0x44: {  	s1 =	sshra.s32 s30, $0x2;
	p0 =	sne.s32 s30, $0x1C0;
	s30 =	sadd.s32 $0x40, s30;
	[tilespmem:s28+$0x8A0] =	vst v8  }
0x45: {  	v10 =	vadd.s32 $0x200100, v3;
	v8 =	vld [tilespmem:s1+$0x520];
	[tilespmem:s28+$0xBA0] =	vst v9  }
0x46: {  	v3 =	vadd.s32 $0x200080, v3;
	v9 =	vld [tilespmem:s1+$0x5A0];
	[tilespmem:s28+$0xB20] =	vst v10  }
0x47: {  	[tilespmem:s28+$0xAA0] =	vst v3  }
0x48: {  	[tilespmem:s28+$0x6A0] =	vst v4  }
0x49: {  	[tilespmem:s28+$0x820] =	vst v5  }
0x4a: {  	[tilespmem:s28+$0xA20] =	vst v7  }
0x4b: {  	v3 =	vshll.u32 v8, $0xC;
	v4 =	vshll.u32 v9, $0x3;
	[tilespmem:s28+$0x920] =	vst v1  }
0x4c: {  	v1 =	vadd.s32 v3, v4;
	[tilespmem:s28+$0x9A0] =	vst v6  }
0x4d: {  	v3 =	vand.u32 $0x7F, v9;
	v1 =	vand.u32 $0xFFFFFC00, v1;
	[tilespmem:s28+$0x720] =	vst v0  }
0x4e: {  	v3 =	vor.u32 v3, v1;
	[tilespmem:s28+$0x7A0] =	vst v2;
	s28 =	smov.u32 s1  }
.Ltmp1:
0x4f: {  	[tilespmem:s28+$0x620] =	vst v3;
	v4 =	vor.u32 $0x80, v3;
	v1 =	vor.u32 $0x300, v3;
	v2 =	vadd.s32 $0x200380, v3;
	(pc) =	sbr.rel @p0 .LBB2_4-.Ltmp1, $4  }
0x50: {  	v0 =	vor.u32 $0x100, v3;
	v5 =	vor.u32 $0x200, v3;
	v6 =	vadd.s32 $0x200300, v3;
	[tilespmem:s28+$0xDA0] =	vst v2  }
0x51: {  	v8 =	vor.u32 $0x280, v3;
	v9 =	vadd.s32 $0x200280, v3;
	v2 =	vor.u32 $0x180, v3;
	[tilespmem:s28+$0xD20] =	vst v6  }
0x52: {  	v7 =	vadd.s32 $0x200000, v3;
	v10 =	vadd.s32 $0x200200, v3;
	v6 =	vor.u32 $0x380, v3;
	[tilespmem:s28+$0xCA0] =	vst v9  }
0x53: {  	v9 =	vadd.s32 $0x200180, v3;
	[tilespmem:s28+$0xC20] =	vst v10  }
0x54: {  	[tilespmem:s28+$0x8A0] =	vst v8  }
0x55: {  	[tilespmem:s28+$0xBA0] =	vst v9  }
0x56: {  	[tilespmem:s28+$0x6A0] =	vst v4  }
0x57: {  	[tilespmem:s28+$0x820] =	vst v5  }
0x58: {  	[tilespmem:s28+$0xA20] =	vst v7  }
0x59: {  	[tilespmem:s28+$0x920] =	vst v1  }
0x5a: {  	[tilespmem:s28+$0x9A0] =	vst v6  }
0x5b: {  	[tilespmem:s28+$0x720] =	vst v0  }
0x5c: {  	v63 =	vadd.s32 $0x200100, v3;
	[tilespmem:s28+$0x7A0] =	vst v2  }
0x5d: {  	v3 =	vadd.s32 $0x200080, v3;
	[tilespmem:s28+$0xB20] =	vst v63  }
0x5e: {  	s1 =	simm.s32 $0x620;
	[tilespmem:s28+$0xAA0] =	vst v3  }
0x5f: {  	[tilespmem:s24], [sflag:$0x3] =	stream.indirect.gather [hbm4b:s2+s20], $0x1, s1, s20, $0xb8;
	[tilespmem:$0x1620] =	vst v63  }
0x60: {  	s6 =	simm.s32 $0x820  }
0x61: {  	[tilespmem:s26], [sflag:$0x4] =	stream.indirect.gather [hbm4b:s2+s20], $0x1, s6, s20, $0xb8;
	[tilespmem:$0x1620] =	vst v63  }
0x62: {  	s17 =	simm.s32 $0xA20  }
0x63: {  	[tilespmem:s29], [sflag:$0x5] =	stream.indirect.gather [hbm4b:s2+s20], $0x1, s17, s20, $0xb8;
	[tilespmem:$0x1620] =	vst v63  }
0x64: {  	s30 =	simm.s32 $0xC20  }
0x65: {  	[tilespmem:s31], [sflag:$0x6] =	stream.indirect.gather [hbm4b:s2+s20], $0x1, s30, s20, $0xb8;
	[tilespmem:$0x1620] =	vst v63  }
0x66: {  	_ =	swait.ge [sflag:s3], $0x200  }
0x67: {  	[sflag:s3] =	ssyncset.done $0x0  }
0x68: {  	s28 =	simm.s32 $0x0;
	[sflag:s3] =	ssyncadd.s32 $0xFFFFFE00  }
0x69: {  	v0 =	vld [tilespmem:s28+$0x220]  }
0x6a: {  	v1 =	vld [tilespmem:s28+$0x320];
	_ =	sdelay $0x2  }
0x6b: {  	s1 =	simm.s32 $0x40  }
.LBB2_6:
0x6c: {  	s6 =	sshra.s32 s1, $0x2;
	p0 =	sne.s32 s1, $0x3C0  }
.Ltmp2:
0x6d: {  	s1 =	sadd.s32 $0x40, s1;
	v2 =	vadd.f32 v1, v0;
	v0 =	vld [tilespmem:s6+$0x220];
	(pc) =	sbr.rel @p0 .LBB2_6-.Ltmp2, $3  }
0x6e: {  	v1 =	vld [tilespmem:s6+$0x320]  }
0x6f: {  	v2 =	vmul.f32 $5.000000000e-01, v2;
	_ =	sdelay $0x1  }
0x70: {  	[tilespmem:s28+$0x420] =	vst v2;
	s28 =	smov.u32 s6  }
0x71: {  	_ = 	snop  }
0x72: {  	v0 =	vadd.f32 v1, v0;
	_ =	sdelay $0x1  }
0x73: {  	v0 =	vmul.f32 $5.000000000e-01, v0;
	_ =	sdelay $0x1  }
0x74: {  	s1 =	simm.s32 $0x420;
	[tilespmem:s28+$0x420] =	vst v0  }
0x75: {  	[hbm4b:s8+s16] =	stream.strided.scatter [tilespmem:s1], [sflag:$0x1], $0x80, s0, s16, $0x38;
	[tilespmem:$0x1620] =	vst v63  }
0x76: {  	s30 =	simm.s32 $0x4A0  }
0x77: {  	[hbm4b:s11+s16] =	stream.strided.scatter [tilespmem:s30], [sflag:$0x1], $0x80, s0, s16, $0x38;
	[tilespmem:$0x1620] =	vst v63  }
0x78: {  	_ =	swait.ge [sflag:s18], $0x200  }
0x79: {  	[sflag:s18] =	ssyncset.done $0x0  }
0x7a: {  	[sflag:s18] =	ssyncadd.s32 $0xFFFFFE00  }
0x7b: {  	[hbm4b:s9+s4] =	stream.linear.scatter [tilespmem:s24], [sflag:$0x1], $0x200, $0x38;
	[tilespmem:$0x1620] =	vst v63  }
0x7c: {  	_ =	swait.ge [sflag:s21], $0x200  }
0x7d: {  	[sflag:s21] =	ssyncset.done $0x0  }
0x7e: {  	[sflag:s21] =	ssyncadd.s32 $0xFFFFFE00  }
0x7f: {  	[hbm4b:s12+s4] =	stream.linear.scatter [tilespmem:s26], [sflag:$0x1], $0x200, $0x38;
	[tilespmem:$0x1620] =	vst v63  }
0x80: {  	_ =	swait.ge [sflag:s22], $0x200  }
0x81: {  	[sflag:s22] =	ssyncset.done $0x0  }
0x82: {  	[sflag:s22] =	ssyncadd.s32 $0xFFFFFE00  }
0x83: {  	[hbm4b:s13+s4] =	stream.linear.scatter [tilespmem:s29], [sflag:$0x1], $0x200, $0x38;
	[tilespmem:$0x1620] =	vst v63  }
0x84: {  	_ =	swait.ge [sflag:s23], $0x200  }
0x85: {  	[sflag:s23] =	ssyncset.done $0x0  }
0x86: {  	[sflag:s23] =	ssyncadd.s32 $0xFFFFFE00  }
0x87: {  	[hbm4b:s14+s4] =	stream.linear.scatter [tilespmem:s31], [sflag:$0x1], $0x200, $0x38;
	[tilespmem:$0x1620] =	vst v63  }
0x88: {  	_ =	swait.ge [sflag:s19], $0x80  }
0x89: {  	[sflag:s19] =	ssyncset.done $0x0  }
0x8a: {  	[sflag:s19] =	ssyncadd.s32 $0xFFFFFF80  }
0x8b: {  	_ =	swait.ge [sflag:s19], $0x80  }
0x8c: {  	[sflag:s19] =	ssyncset.done $0x0  }
0x8d: {  	[sflag:s19] =	ssyncadd.s32 $0xFFFFFF80  }
0x8e: {  	_ =	swait.ge [sflag:s19], $0x200  }
0x8f: {  	[sflag:s19] =	ssyncset.done $0x0  }
0x90: {  	[sflag:s19] =	ssyncadd.s32 $0xFFFFFE00  }
0x91: {  	_ =	swait.ge [sflag:s19], $0x200  }
0x92: {  	[sflag:s19] =	ssyncset.done $0x0  }
0x93: {  	s25 =	sadd.s32 $0x1, s25;
	[sflag:s19] =	ssyncadd.s32 $0xFFFFFE00  }
0x94: {  	p0 =	sne.s32 s25, s15;
	_ =	swait.ge [sflag:s19], $0x200  }
.Ltmp3:
0x95: {  	[sflag:s19] =	ssyncset.done $0x0;
	(pc) =	sbr.rel @p0 .LBB2_1-.Ltmp3, $4  }
0x96: {  	[sflag:s19] =	ssyncadd.s32 $0xFFFFFE00  }
0x97: {  	_ =	swait.ge [sflag:s19], $0x200  }
0x98: {  	[sflag:s19] =	ssyncset.done $0x0  }
0x99: {  	[sflag:s19] =	ssyncadd.s32 $0xFFFFFE00  }
0x9a: {  	_ =	sfence.sel $0x180000  }
0x9b: {  	[bflag:$0x0] =	sbarrier.arrive $0xFFFF  }
0x9c: {  	_ =	strace $0x90000047  }
0x9d: {  	s0 =	stileid.u32;
	[bflag:$0x2] =	sbarrier.arrive $0xFFFF  }
0x9e: {  	p0 =	sne.s32 s0, $0x0;
	s0 =	rddreg [dreg:$0x6]  }
0x9f: {  	s0 =	sadd.s32 @!p0 $0x100000, s0  }
0xa0: {  	[sflag:s0] =	ssyncadd.tile.s32 @!p0 $0x1;
	_ =	shalt  }
.Lfunc_end2:
_tile_overlayer_lowered:
.L_overlay_start_2:
0xa1: {  	(tag) =	ssettag $0x2  }
0xa2: {  	s0 =	rddreg [dreg:$0x0];
	s2 =	stileid.u32  }
0xa3: {  	s1 =	rddreg [dreg:$0x1];
	p0 =	sne.s32 s2, $0x0  }
0xa4: {  	s3 =	rddreg [dreg:$0x2];
	[bflag:$0x3] =	sbarrier.arrive $0xFFFF;
	s2 =	simm.s32 @!p0 $0x1C07  }
0xa5: {  	[timem:s3], [sflag:s2] =	dma.local @!p0 [hbm:s0], s1  }
0xa6: {  	s0 =	simm.s32 @!p0 $0x7  }
0xa7: {  	_ =	swait.ge @!p0 [sflag:s0], s1  }
0xa8: {  	s1 =	ssub.s32 @!p0 $0x0, s1;
	[sflag:s0] =	ssyncset.done @!p0 $0x0  }
0xa9: {  	[sflag:s0] =	ssyncadd.s32 @!p0 s1  }
0xaa: {  	[bflag:$0x3] =	sbarrier.arrive $0xFFFF  }
0xab: {  	_ =	shalt  }

</sc_bundles>
